<compile_context>
chip_gen: v7x
topology: tpu7x:2x2x1
jax: 0.10.2.dev20260603
libtpu: 0.0.44.dev20260713+nightly
codegen_flags: <defaults>
</compile_context>

<pallas_src>
import functools

import jax
import jax.numpy as jnp
from jax.experimental import pallas as pl
from jax.experimental.pallas import tpu as pltpu
from jax.experimental.pallas import tpu_sc as plsc

TOPK = 5
NCAND = 8
NEG = -1e30


def _stream_body(n_docs, h_ref, wq_ref, bq_ref, docs_ref,
                 cand_ref, qn_ref, qn_s, sc_all):
    i = pl.program_id(0)
    nblk = pl.num_programs(0)
    bb, _, d = h_ref.shape
    nb = docs_ref.shape[0]

    @pl.when(i == 0)
    def _query():
        h = h_ref[...]
        q = jnp.mean(h, axis=1)
        ql = jax.lax.dot_general(q, wq_ref[...], (((1,), (1,)), ((), ())),
                                 preferred_element_type=jnp.float32)
        ql = ql + bq_ref[...][None, :]
        s2q = jnp.sum(ql * ql, axis=1, keepdims=True)
        qn_s[...] = ql * (1.0 / jnp.maximum(jnp.sqrt(s2q), 1e-12))

    x = docs_ref[...]
    raw = jax.lax.dot_general(qn_s[...], x, (((1,), (1,)), ((), ())),
                              preferred_element_type=jnp.float32)
    ones = jnp.ones((1, d), jnp.float32)
    s2 = jax.lax.dot_general(ones, x * x, (((1,), (1,)), ((), ())),
                             preferred_element_type=jnp.float32)
    sc = raw * jax.lax.rsqrt(jnp.maximum(s2, 1e-24))
    col = jax.lax.broadcasted_iota(jnp.int32, (bb, nb), 1)
    sc = jnp.where(col + i * nb < n_docs, sc, NEG)
    sc_all[:, pl.ds(pl.multiple_of(i * nb, nb), nb)] = sc

    @pl.when(i == nblk - 1)
    def _cands():
        ncols = sc_all.shape[1]
        lane = jax.lax.broadcasted_iota(jnp.int32, (bb, 128), 1)
        si = jnp.zeros((bb, 128), jnp.int32)
        for j in range(NCAND):
            s = sc_all[...]
            ciota = jax.lax.broadcasted_iota(jnp.int32, (bb, ncols), 1)
            m = jnp.max(s, axis=1, keepdims=True)
            gi = jnp.min(jnp.where(s == m, ciota, 2147483647), axis=1,
                         keepdims=True)
            si = jnp.where(lane == j, gi, si)
            sc_all[...] = jnp.where(ciota == gi, NEG, s)
        cand_ref[...] = si[:, :NCAND]
        qn_ref[...] = qn_s[...]


def _sc_gather_body(idx_hbm, docs_hbm, out_hbm, idx_v, rows_v, sem):
    ci = jax.lax.axis_index("c")
    si = jax.lax.axis_index("s")

    @pl.when((ci == 0) & (si == 0))
    def _():
        pltpu.sync_copy(idx_hbm, idx_v)
        pltpu.async_copy(docs_hbm.at[idx_v], rows_v, sem).wait()
        pltpu.sync_copy(rows_v, out_hbm)


def _refine_body(rows_ref, cand_ref, qn_ref, vals_ref, idx_ref, ctx_ref):
    bb, nc, d = rows_ref.shape
    k = TOPK
    lane = jax.lax.broadcasted_iota(jnp.int32, (bb, 128), 1)
    xns = []
    scs = []
    for bi in range(bb):
        x = rows_ref[bi]
        s2 = jnp.sum(x * x, axis=1, keepdims=True)
        xn = x * (1.0 / jnp.maximum(jnp.sqrt(s2), 1e-12))
        xns.append(xn)
        scs.append(jax.lax.dot_general(
            qn_ref[bi:bi + 1, :], xn, (((1,), (1,)), ((), ())),
            preferred_element_type=jnp.float32))
    sc8 = jnp.concatenate(scs, axis=0)
    cidx = cand_ref[...]
    lane8 = jax.lax.broadcasted_iota(jnp.int32, (bb, nc), 1)
    sv = jnp.full((bb, 128), NEG, jnp.float32)
    si = jnp.zeros((bb, 128), jnp.int32)
    s = sc8
    for j in range(k):
        m = jnp.max(s, axis=1, keepdims=True)
        p = jnp.min(jnp.where(s == m, lane8, nc), axis=1, keepdims=True)
        gi = jnp.min(jnp.where(lane8 == p, cidx, 2147483647), axis=1,
                     keepdims=True)
        sv = jnp.where(lane == j, m, sv)
        si = jnp.where(lane == j, gi, si)
        s = jnp.where(lane8 == p, NEG, s)
    vals_ref[...] = sv[:, :k]
    idx_ref[...] = si[:, :k]
    v5 = jnp.min(jnp.where(lane < k, sv, 1e30), axis=1, keepdims=True)
    v1 = sv[:, :1]
    e = jnp.where(sc8 >= v5, jnp.exp(sc8 - v1), 0.0)
    w = e / jnp.sum(e, axis=1, keepdims=True)
    for bi in range(bb):
        ctx_ref[bi] = jax.lax.dot_general(
            w[bi:bi + 1, :], xns[bi], (((1,), (0,)), ((), ())),
            preferred_element_type=jnp.float32)


def _fuse_body(h_ref, wg_ref, ctx_ref, bg_ref, o_ref):
    d = h_ref.shape[2]
    h = h_ref[0]
    ctxv = ctx_ref[0]
    lg = jax.lax.dot_general(h, wg_ref[:, :d], (((1,), (1,)), ((), ())),
                             preferred_element_type=jnp.float32)
    ct = jax.lax.dot_general(ctxv, wg_ref[:, d:], (((1,), (1,)), ((), ())),
                             preferred_element_type=jnp.float32)
    z = lg + ct + bg_ref[...][None, :]
    g = jax.nn.sigmoid(z)
    o_ref[0] = g * h + (1.0 - g) * ctxv


def kernel(hidden_states, doc_embeddings, Wq, bq, Wg, bg):
    b, s, d = hidden_states.shape
    n, _ = doc_embeddings.shape
    k = TOPK
    nb = 4096
    nblk = (n + nb - 1) // nb
    bs = 512
    assert s % bs == 0

    cand, qn = pl.pallas_call(
        functools.partial(_stream_body, n),
        grid=(nblk,),
        in_specs=[
            pl.BlockSpec((b, s, d), lambda i: (0, 0, 0)),
            pl.BlockSpec((d, d), lambda i: (0, 0)),
            pl.BlockSpec((d,), lambda i: (0,)),
            pl.BlockSpec((nb, d), lambda i: (i, 0)),
        ],
        out_specs=[
            pl.BlockSpec((b, NCAND), lambda i: (0, 0)),
            pl.BlockSpec((b, d), lambda i: (0, 0)),
        ],
        out_shape=[
            jax.ShapeDtypeStruct((b, NCAND), jnp.int32),
            jax.ShapeDtypeStruct((b, d), jnp.float32),
        ],
        scratch_shapes=[
            pltpu.VMEM((b, d), jnp.float32),
            pltpu.VMEM((b, nblk * nb), jnp.float32),
        ],
        compiler_params=pltpu.CompilerParams(
            vmem_limit_bytes=116 * 1024 * 1024),
    )(hidden_states, Wq, bq, doc_embeddings)

    rows16 = pl.kernel(
        _sc_gather_body,
        mesh=plsc.VectorSubcoreMesh(core_axis_name="c", subcore_axis_name="s"),
        out_type=jax.ShapeDtypeStruct((b * NCAND, d), jnp.float32),
        scratch_types=[
            pltpu.VMEM((b * NCAND,), jnp.int32),
            pltpu.VMEM((b * NCAND, d), jnp.float32),
            pltpu.SemaphoreType.DMA,
        ],
    )(cand.reshape(b * NCAND), doc_embeddings)

    vals, idxs, ctx = pl.pallas_call(
        _refine_body,
        in_specs=[
            pl.BlockSpec((b, NCAND, d), lambda: (0, 0, 0)),
            pl.BlockSpec((b, NCAND), lambda: (0, 0)),
            pl.BlockSpec((b, d), lambda: (0, 0)),
        ],
        out_specs=[
            pl.BlockSpec((b, k), lambda: (0, 0)),
            pl.BlockSpec((b, k), lambda: (0, 0)),
            pl.BlockSpec((b, 1, d), lambda: (0, 0, 0)),
        ],
        out_shape=[
            jax.ShapeDtypeStruct((b, k), jnp.float32),
            jax.ShapeDtypeStruct((b, k), jnp.int32),
            jax.ShapeDtypeStruct((b, 1, d), jnp.float32),
        ],
    )(rows16.reshape(b, NCAND, d), cand, qn)

    fused = pl.pallas_call(
        _fuse_body,
        grid=(b, s // bs),
        in_specs=[
            pl.BlockSpec((1, bs, d), lambda bi, si: (bi, si, 0)),
            pl.BlockSpec((d, 2 * d), lambda bi, si: (0, 0)),
            pl.BlockSpec((1, 1, d), lambda bi, si: (bi, 0, 0)),
            pl.BlockSpec((d,), lambda bi, si: (0,)),
        ],
        out_specs=pl.BlockSpec((1, bs, d), lambda bi, si: (bi, si, 0)),
        out_shape=jax.ShapeDtypeStruct((b, s, d), jnp.float32),
    )(hidden_states, Wg, ctx, bg)

    return vals, idxs, fused

# --- scband reference (transcript-rebuilt; emitter-appended) ---
"""Pipeline reference for scband-exact-retriever-module-79233556677244 (READ-ONLY COPY).

The authoritative reference and input builder live on the scoring server;
editing this copy changes nothing except your own understanding.
"""

import jax, jax.numpy as jnp
import numpy as np

B, S, D, NUM_DOCS, TOPK = 2, 2048, 1024, 100000, 5


def _l2norm(x):
    n = jnp.linalg.norm(x, ord=2, axis=-1, keepdims=True)
    return x / jnp.clip(n, 1e-12)


def setup_inputs(seed: int = 0) -> dict:
    key = jax.random.key(seed)
    ks = jax.random.split(key, 6)
    hidden_states = jax.random.normal(ks[0], (B, S, D), dtype=jnp.float32)
    doc_embeddings = jax.random.normal(ks[1], (NUM_DOCS, D), dtype=jnp.float32)
    Wq = jax.random.normal(ks[2], (D, D), dtype=jnp.float32) * (1.0 / np.sqrt(D))
    bq = jnp.zeros((D,), dtype=jnp.float32)
    Wg = jax.random.normal(ks[3], (D, 2 * D), dtype=jnp.float32) * (1.0 / np.sqrt(2 * D))
    bg = jnp.zeros((D,), dtype=jnp.float32)
    return {
        "hidden_states": hidden_states,
        "doc_embeddings": doc_embeddings,
        "Wq": Wq,
        "bq": bq,
        "Wg": Wg,
        "bg": bg,
    }


def reference(hidden_states, doc_embeddings, Wq, bq, Wg, bg):
    # set_doc_embeddings with metric='cosine': pre-normalize the corpus
    docs = _l2norm(doc_embeddings)
    # query = mean-pool over seq, then linear query encoder
    query = hidden_states.mean(axis=1)
    query = query @ Wq.T + bq
    # cosine similarity: normalize query, matmul against normalized docs
    qn = _l2norm(query)
    scores = qn @ docs.T  # [B, NUM_DOCS]
    top_scores, indices = jax.lax.top_k(scores, TOPK)  # [B, TOPK]
    # _fuse_context with method='gate'
    retrieved = docs[indices]  # [B, TOPK, D] gather
    weights = jax.nn.softmax(top_scores, axis=1)
    weighted_context = jnp.einsum("bk,bkd->bd", weights, retrieved)
    context_exp = jnp.broadcast_to(weighted_context[:, None, :], (B, S, D))
    combined = jnp.concatenate([hidden_states, context_exp], axis=-1)
    gate = jax.nn.sigmoid(combined @ Wg.T + bg)
    fused = gate * hidden_states + (1.0 - gate) * context_exp
    return top_scores, indices, fused

if __name__ == "__main__":
    import jax
    _d = setup_inputs()
    print(jax.jit(kernel)(*tuple(_d.values())))

</pallas_src>

<mosaic_0001>
#map = affine_map<(d0, d1) -> (0)>
#map1 = affine_map<(d0, d1) -> (0, 0)>
module attributes {stable_mosaic.version = 14 : i64} {
  func.func @_sc_gather_body(%arg0: i32, %arg1: i32, %arg2: memref<16xi32, #tpu.memory_space<hbm>>, %arg3: memref<100000x1024xf32, #tpu.memory_space<hbm>>, %arg4: memref<16x1024xf32, #tpu.memory_space<hbm>>, %arg5: memref<16xi32, #tpu.memory_space<vmem>>, %arg6: memref<16x1024xf32, #tpu.memory_space<vmem>>, %arg7: memref<!tpu.dma_semaphore, #tpu.memory_space<semaphore_mem>>) attributes {dimension_semantics = [#tpu.dimension_semantics<core_parallel>, #tpu.dimension_semantics<subcore_parallel>], iteration_bounds = array<i64: 2, 16>, scalar_prefetch = 0 : i64, scratch_operands = 3 : i64, tpu.core_type = #tpu.core_type<sc_vector_subcore>, window_params = [{transform_indices = #map}, {transform_indices = #map1}, {transform_indices = #map1}]} {
    %eq3A = arith.constant 0 : i32
    %eq3A_0 = arith.cmpi eq, %arg0, %eq3A : i32
    %eq3A_1 = arith.constant 0 : i32
    %eq3A_2 = arith.cmpi eq, %arg1, %eq3A_1 : i32
    %and3A = arith.andi %eq3A_0, %eq3A_2 : i1
    %convert_element_type3A = arith.extui %and3A : i1 to i32
    %cond3A = arith.constant 0 : i32
    %cond3A_3 = arith.cmpi ne, %convert_element_type3A, %cond3A : i32
    scf.if %cond3A_3 {
      "tpu.region"() ({
        %run_scoped3A = tpu.sem_alloc : memref<!tpu.dma_semaphore, #tpu.memory_space<semaphore_mem>>
        tpu.enqueue_dma source(%arg2 : memref<16xi32, #tpu.memory_space<hbm>>) target(%arg5 : memref<16xi32, #tpu.memory_space<vmem>>) target_semaphore(%run_scoped3A : memref<!tpu.dma_semaphore, #tpu.memory_space<semaphore_mem>>)
        tpu.wait_dma2 semaphore(%run_scoped3A : memref<!tpu.dma_semaphore, #tpu.memory_space<semaphore_mem>>) src(%arg2 : memref<16xi32, #tpu.memory_space<hbm>>) dst(%arg5 : memref<16xi32, #tpu.memory_space<vmem>>)
        tpu.yield
      }) : () -> ()
      %dma_start3A = arith.constant 0 : i32
      %dma_start3A_4 = arith.constant 0 : i32
      %dma_start3A_5 = tpu.memref_slice %arg3[%dma_start3A, %dma_start3A_4] : memref<100000x1024xf32, #tpu.memory_space<hbm>> -> memref<100000x1024xf32, #tpu.memory_space<hbm>>
      tpu.enqueue_indirect_dma source(%dma_start3A_5 : memref<100000x1024xf32, #tpu.memory_space<hbm>>) target(%arg6 : memref<16x1024xf32, #tpu.memory_space<vmem>>) offsets(%arg5 : memref<16xi32, #tpu.memory_space<vmem>>) semaphore(%arg7 : memref<!tpu.dma_semaphore, #tpu.memory_space<semaphore_mem>>)
      %dma_wait3A = arith.constant 0 : i32
      %dma_wait3A_6 = arith.constant 0 : i32
      %dma_wait3A_7 = tpu.memref_slice %arg3[%dma_wait3A, %dma_wait3A_6] : memref<100000x1024xf32, #tpu.memory_space<hbm>> -> memref<100000x1024xf32, #tpu.memory_space<hbm>>
      tpu.wait_indirect_dma semaphore(%arg7 : memref<!tpu.dma_semaphore, #tpu.memory_space<semaphore_mem>>) src(%dma_wait3A_7 : memref<100000x1024xf32, #tpu.memory_space<hbm>>) dst(%arg6 : memref<16x1024xf32, #tpu.memory_space<vmem>>)
      "tpu.region"() ({
        %run_scoped3A = tpu.sem_alloc : memref<!tpu.dma_semaphore, #tpu.memory_space<semaphore_mem>>
        tpu.enqueue_dma source(%arg6 : memref<16x1024xf32, #tpu.memory_space<vmem>>) target(%arg4 : memref<16x1024xf32, #tpu.memory_space<hbm>>) target_semaphore(%run_scoped3A : memref<!tpu.dma_semaphore, #tpu.memory_space<semaphore_mem>>)
        tpu.wait_dma2 semaphore(%run_scoped3A : memref<!tpu.dma_semaphore, #tpu.memory_space<semaphore_mem>>) src(%arg6 : memref<16x1024xf32, #tpu.memory_space<vmem>>) dst(%arg4 : memref<16x1024xf32, #tpu.memory_space<hbm>>)
        tpu.yield
      }) : () -> ()
    } else {
    }
    return
  }
}

module attributes {stable_mosaic.version = 14 : i64} {
  func.func @_fuse_body(%arg0: i32, %arg1: i32, %arg2: memref<1x512x1024xf32, #tpu.memory_space<vmem>>, %arg3: memref<1024x2048xf32, #tpu.memory_space<vmem>>, %arg4: memref<1x1x1024xf32, #tpu.memory_space<vmem>>, %arg5: memref<1024xf32, #tpu.memory_space<vmem>>, %arg6: memref<1x512x1024xf32, #tpu.memory_space<vmem>>) attributes {dimension_semantics = [#tpu.dimension_semantics<arbitrary>, #tpu.dimension_semantics<arbitrary>], iteration_bounds = array<i64: 2, 4>, scalar_prefetch = 0 : i64, scratch_operands = 0 : i64, tpu.core_type = #tpu.core_type<tc>, window_params = [{transform_indices = @transform_0, window_bounds = array<i64: 1, 512, 1024>}, {pipeline_mode = #tpu.pipeline_mode<synchronous>, transform_indices = @transform_1, window_bounds = array<i64: 1024, 2048>}, {transform_indices = @transform_2, window_bounds = array<i64: 1, 1, 1024>}, {pipeline_mode = #tpu.pipeline_mode<synchronous>, transform_indices = @transform_3, window_bounds = array<i64: 1024>}, {transform_indices = @transform_4, window_bounds = array<i64: 1, 512, 1024>}]} {
    %get3A = arith.constant 0 : index
    %get3A_0 = arith.constant 0 : index
    %get3A_1 = arith.constant 0 : index
    %get3A_2 = vector.load %arg2[%get3A, %get3A_0, %get3A_1] : memref<1x512x1024xf32, #tpu.memory_space<vmem>>, vector<1x512x1024xf32>
    %get3A_3 = vector.shape_cast %get3A_2 : vector<1x512x1024xf32> to vector<512x1024xf32>
    %get3A_4 = arith.constant 0 : index
    %get3A_5 = arith.constant 0 : index
    %get3A_6 = arith.constant 0 : index
    %get3A_7 = vector.load %arg4[%get3A_4, %get3A_5, %get3A_6] : memref<1x1x1024xf32, #tpu.memory_space<vmem>>, vector<1x1x1024xf32>
    %get3A_8 = vector.shape_cast %get3A_7 : vector<1x1x1024xf32> to vector<1x1024xf32>
    %get3A_9 = arith.constant 0 : index
    %get3A_10 = arith.constant 0 : index
    %get3A_11 = vector.load %arg3[%get3A_9, %get3A_10] : memref<1024x2048xf32, #tpu.memory_space<vmem>>, vector<1024x1024xf32>
    %dot_general3A = arith.constant dense<0.000000e+00> : vector<512x1024xf32>
    %dot_general3A_12 = tpu.matmul %get3A_3, %get3A_11, %dot_general3A {dimension_numbers = #tpu.dot_dimension_numbers<[1], [1], [0], [0], [0, 0, 1, 0], [], []>, transpose_lhs_hint = false} : vector<512x1024xf32>, vector<1024x1024xf32>, vector<512x1024xf32> -> vector<512x1024xf32>
    %get3A_13 = arith.constant 0 : index
    %get3A_14 = arith.constant 1024 : index
    %get3A_15 = vector.load %arg3[%get3A_13, %get3A_14] : memref<1024x2048xf32, #tpu.memory_space<vmem>>, vector<1024x1024xf32>
    %dot_general3A_16 = arith.constant dense<0.000000e+00> : vector<1x1024xf32>
    %dot_general3A_17 = tpu.matmul %get3A_8, %get3A_15, %dot_general3A_16 {dimension_numbers = #tpu.dot_dimension_numbers<[1], [1], [0], [0], [0, 0, 1, 0], [], []>, transpose_lhs_hint = false} : vector<1x1024xf32>, vector<1024x1024xf32>, vector<1x1024xf32> -> vector<1x1024xf32>
    %add3A = vector.broadcast %dot_general3A_17 : vector<1x1024xf32> to vector<512x1024xf32>
    %add3A_18 = arith.addf %dot_general3A_12, %add3A : vector<512x1024xf32>
    %get3A_19 = arith.constant 0 : index
    %get3A_20 = vector.load %arg5[%get3A_19] : memref<1024xf32, #tpu.memory_space<vmem>>, vector<1024xf32>
    %broadcast_in_dim3A = vector.shape_cast %get3A_20 : vector<1024xf32> to vector<1x1024xf32>
    %add3A_21 = vector.broadcast %broadcast_in_dim3A : vector<1x1024xf32> to vector<512x1024xf32>
    %add3A_22 = arith.addf %add3A_18, %add3A_21 : vector<512x1024xf32>
    %logistic3A = arith.negf %add3A_22 : vector<512x1024xf32>
    %logistic3A_23 = math.exp %logistic3A : vector<512x1024xf32>
    %logistic3A_24 = arith.constant 1.000000e+00 : f32
    %logistic3A_25 = vector.broadcast %logistic3A_24 : f32 to vector<512x1024xf32>
    %logistic3A_26 = arith.addf %logistic3A_25, %logistic3A_23 : vector<512x1024xf32>
    %logistic3A_27 = arith.divf %logistic3A_25, %logistic3A_26 : vector<512x1024xf32>
    %mul3A = arith.mulf %logistic3A_27, %get3A_3 : vector<512x1024xf32>
    %sub3A = arith.constant 1.000000e+00 : f32
    %sub3A_28 = vector.broadcast %sub3A : f32 to vector<512x1024xf32>
    %sub3A_29 = arith.subf %sub3A_28, %logistic3A_27 : vector<512x1024xf32>
    %mul3A_30 = vector.broadcast %get3A_8 : vector<1x1024xf32> to vector<512x1024xf32>
    %mul3A_31 = arith.mulf %sub3A_29, %mul3A_30 : vector<512x1024xf32>
    %add3A_32 = arith.addf %mul3A, %mul3A_31 : vector<512x1024xf32>
    %swap3A = arith.constant 0 : index
    %swap3A_33 = arith.constant 0 : index
    %swap3A_34 = arith.constant 0 : index
    %swap3A_35 = vector.load %arg6[%swap3A, %swap3A_33, %swap3A_34] : memref<1x512x1024xf32, #tpu.memory_space<vmem>>, vector<1x512x1024xf32>
    %swap3A_36 = vector.shape_cast %swap3A_35 : vector<1x512x1024xf32> to vector<512x1024xf32>
    %swap3A_37 = vector.shape_cast %add3A_32 : vector<512x1024xf32> to vector<1x512x1024xf32>
    tpu.vector_store %arg6[%swap3A, %swap3A_33, %swap3A_34], %swap3A_37 {strides = array<i32>} : memref<1x512x1024xf32, #tpu.memory_space<vmem>>, vector<1x512x1024xf32>,
    return
  }
  func.func @transform_0(%arg0: i32, %arg1: i32) -> (i32, i32, i32) {
    %c0_i32 = arith.constant 0 : i32
    %c0_i32_0 = arith.constant 0 : i32
    return %arg0, %arg1, %c0_i32 : i32, i32, i32
  }
  func.func @transform_1(%arg0: i32, %arg1: i32) -> (i32, i32) {
    %c0_i32 = arith.constant 0 : i32
    %c0_i32_0 = arith.constant 0 : i32
    %c0_i32_1 = arith.constant 0 : i32
    return %c0_i32, %c0_i32_0 : i32, i32
  }
  func.func @transform_2(%arg0: i32, %arg1: i32) -> (i32, i32, i32) {
    %c0_i32 = arith.constant 0 : i32
    %c0_i32_0 = arith.constant 0 : i32
    %c0_i32_1 = arith.constant 0 : i32
    return %arg0, %c0_i32, %c0_i32_0 : i32, i32, i32
  }
  func.func @transform_3(%arg0: i32, %arg1: i32) -> i32 {
    %c0_i32 = arith.constant 0 : i32
    %c0_i32_0 = arith.constant 0 : i32
    return %c0_i32 : i32
  }
  func.func @transform_4(%arg0: i32, %arg1: i32) -> (i32, i32, i32) {
    %c0_i32 = arith.constant 0 : i32
    %c0_i32_0 = arith.constant 0 : i32
    return %arg0, %arg1, %c0_i32 : i32, i32, i32
  }
}

module attributes {stable_mosaic.version = 14 : i64} {
  func.func @_refine_body(%arg0: memref<2x8x1024xf32, #tpu.memory_space<vmem>>, %arg1: memref<2x8xi32, #tpu.memory_space<vmem>>, %arg2: memref<2x1024xf32, #tpu.memory_space<vmem>>, %arg3: memref<2x5xf32, #tpu.memory_space<vmem>>, %arg4: memref<2x5xi32, #tpu.memory_space<vmem>>, %arg5: memref<2x1x1024xf32, #tpu.memory_space<vmem>>) attributes {dimension_semantics = [], scalar_prefetch = 0 : i64, scratch_operands = 0 : i64, tpu.core_type = #tpu.core_type<tc>} {
    %iota3A = tpu.iota {dimensions = array<i32: 1>} : vector<2x128xi32>
    %get3A = arith.constant 0 : index
    %get3A_0 = arith.constant 0 : index
    %get3A_1 = arith.constant 0 : index
    %get3A_2 = vector.load %arg0[%get3A, %get3A_0, %get3A_1] : memref<2x8x1024xf32, #tpu.memory_space<vmem>>, vector<1x8x1024xf32>
    %get3A_3 = vector.shape_cast %get3A_2 : vector<1x8x1024xf32> to vector<8x1024xf32>
    %mul3A = arith.mulf %get3A_3, %get3A_3 : vector<8x1024xf32>
    %reduce_sum3A = arith.constant dense<0.000000e+00> : vector<8xf32>
    %reduce_sum3A_4 = vector.multi_reduction <add>, %mul3A, %reduce_sum3A [1] : vector<8x1024xf32> to vector<8xf32>
    %broadcast_in_dim3A = vector.shape_cast %reduce_sum3A_4 : vector<8xf32> to vector<8x1xf32>
    %sqrt3A = math.sqrt %broadcast_in_dim3A : vector<8x1xf32>
    %max3A = arith.constant 9.99999996E-13 : f32
    %max3A_5 = vector.broadcast %max3A : f32 to vector<8x1xf32>
    %max3A_6 = arith.maximumf %sqrt3A, %max3A_5 : vector<8x1xf32>
    %div3A = arith.constant 1.000000e+00 : f32
    %div3A_7 = vector.broadcast %div3A : f32 to vector<8x1xf32>
    %div3A_8 = arith.divf %div3A_7, %max3A_6 : vector<8x1xf32>
    %mul3A_9 = vector.broadcast %div3A_8 : vector<8x1xf32> to vector<8x1024xf32>
    %mul3A_10 = arith.mulf %get3A_3, %mul3A_9 : vector<8x1024xf32>
    %get3A_11 = arith.constant 0 : index
    %get3A_12 = arith.constant 0 : index
    %get3A_13 = vector.load %arg2[%get3A_11, %get3A_12] : memref<2x1024xf32, #tpu.memory_space<vmem>>, vector<1x1024xf32>
    %dot_general3A = arith.constant dense<0.000000e+00> : vector<1x8xf32>
    %dot_general3A_14 = tpu.matmul %get3A_13, %mul3A_10, %dot_general3A {dimension_numbers = #tpu.dot_dimension_numbers<[1], [1], [0], [0], [0, 0, 1, 0], [], []>, transpose_lhs_hint = false} : vector<1x1024xf32>, vector<8x1024xf32>, vector<1x8xf32> -> vector<1x8xf32>
    %get3A_15 = arith.constant 1 : index
    %get3A_16 = arith.constant 0 : index
    %get3A_17 = arith.constant 0 : index
    %get3A_18 = vector.load %arg0[%get3A_15, %get3A_16, %get3A_17] : memref<2x8x1024xf32, #tpu.memory_space<vmem>>, vector<1x8x1024xf32>
    %get3A_19 = vector.shape_cast %get3A_18 : vector<1x8x1024xf32> to vector<8x1024xf32>
    %mul3A_20 = arith.mulf %get3A_19, %get3A_19 : vector<8x1024xf32>
    %reduce_sum3A_21 = arith.constant dense<0.000000e+00> : vector<8xf32>
    %reduce_sum3A_22 = vector.multi_reduction <add>, %mul3A_20, %reduce_sum3A_21 [1] : vector<8x1024xf32> to vector<8xf32>
    %broadcast_in_dim3A_23 = vector.shape_cast %reduce_sum3A_22 : vector<8xf32> to vector<8x1xf32>
    %sqrt3A_24 = math.sqrt %broadcast_in_dim3A_23 : vector<8x1xf32>
    %max3A_25 = arith.constant 9.99999996E-13 : f32
    %max3A_26 = vector.broadcast %max3A_25 : f32 to vector<8x1xf32>
    %max3A_27 = arith.maximumf %sqrt3A_24, %max3A_26 : vector<8x1xf32>
    %div3A_28 = arith.constant 1.000000e+00 : f32
    %div3A_29 = vector.broadcast %div3A_28 : f32 to vector<8x1xf32>
    %div3A_30 = arith.divf %div3A_29, %max3A_27 : vector<8x1xf32>
    %mul3A_31 = vector.broadcast %div3A_30 : vector<8x1xf32> to vector<8x1024xf32>
    %mul3A_32 = arith.mulf %get3A_19, %mul3A_31 : vector<8x1024xf32>
    %get3A_33 = arith.constant 1 : index
    %get3A_34 = arith.constant 0 : index
    %get3A_35 = vector.load %arg2[%get3A_33, %get3A_34] : memref<2x1024xf32, #tpu.memory_space<vmem>>, vector<1x1024xf32>
    %dot_general3A_36 = arith.constant dense<0.000000e+00> : vector<1x8xf32>
    %dot_general3A_37 = tpu.matmul %get3A_35, %mul3A_32, %dot_general3A_36 {dimension_numbers = #tpu.dot_dimension_numbers<[1], [1], [0], [0], [0, 0, 1, 0], [], []>, transpose_lhs_hint = false} : vector<1x1024xf32>, vector<8x1024xf32>, vector<1x8xf32> -> vector<1x8xf32>
    %concatenate3A = tpu.concatenate %dot_general3A_14, %dot_general3A_37 in 0 : vector<1x8xf32>, vector<1x8xf32> -> vector<2x8xf32>
    %get3A_38 = arith.constant 0 : index
    %get3A_39 = arith.constant 0 : index
    %get3A_40 = vector.load %arg1[%get3A_38, %get3A_39] : memref<2x8xi32, #tpu.memory_space<vmem>>, vector<2x8xi32>
    %iota3A_41 = tpu.iota {dimensions = array<i32: 1>} : vector<2x8xi32>
    %broadcast_in_dim3A_42 = arith.constant -1.000000e+30 : f32
    %broadcast_in_dim3A_43 = vector.broadcast %broadcast_in_dim3A_42 : f32 to vector<2x128xf32>
    %broadcast_in_dim3A_44 = arith.constant 0 : i32
    %broadcast_in_dim3A_45 = vector.broadcast %broadcast_in_dim3A_44 : i32 to vector<2x128xi32>
    %reduce_max3A = arith.constant dense<0xFF800000> : vector<2xf32>
    %reduce_max3A_46 = vector.multi_reduction <maximumf>, %concatenate3A, %reduce_max3A [1] : vector<2x8xf32> to vector<2xf32>
    %broadcast_in_dim3A_47 = vector.shape_cast %reduce_max3A_46 : vector<2xf32> to vector<2x1xf32>
    %eq3A = vector.broadcast %broadcast_in_dim3A_47 : vector<2x1xf32> to vector<2x8xf32>
    %eq3A_48 = arith.cmpf oeq, %concatenate3A, %eq3A : vector<2x8xf32>
    %jit3A = arith.constant 8 : i32
    %broadcast_in_dim3A_49 = vector.broadcast %jit3A : i32 to vector<2x8xi32>
    %select_n3A = arith.select %eq3A_48, %iota3A_41, %broadcast_in_dim3A_49 : vector<2x8xi1>, vector<2x8xi32>
    %reduce_min3A = arith.constant dense<2147483647> : vector<2xi32>
    %reduce_min3A_50 = vector.multi_reduction <minsi>, %select_n3A, %reduce_min3A [1] : vector<2x8xi32> to vector<2xi32>
    %broadcast_in_dim3A_51 = vector.shape_cast %reduce_min3A_50 : vector<2xi32> to vector<2x1xi32>
    %eq3A_52 = vector.broadcast %broadcast_in_dim3A_51 : vector<2x1xi32> to vector<2x8xi32>
    %eq3A_53 = arith.cmpi eq, %iota3A_41, %eq3A_52 : vector<2x8xi32>
    %jit3A_54 = arith.constant 2147483647 : i32
    %broadcast_in_dim3A_55 = vector.broadcast %jit3A_54 : i32 to vector<2x8xi32>
    %select_n3A_56 = arith.select %eq3A_53, %get3A_40, %broadcast_in_dim3A_55 : vector<2x8xi1>, vector<2x8xi32>
    %reduce_min3A_57 = arith.constant dense<2147483647> : vector<2xi32>
    %reduce_min3A_58 = vector.multi_reduction <minsi>, %select_n3A_56, %reduce_min3A_57 [1] : vector<2x8xi32> to vector<2xi32>
    %broadcast_in_dim3A_59 = vector.shape_cast %reduce_min3A_58 : vector<2xi32> to vector<2x1xi32>
    %eq3A_60 = arith.constant 0 : i32
    %eq3A_61 = vector.broadcast %eq3A_60 : i32 to vector<2x128xi32>
    %eq3A_62 = arith.cmpi eq, %iota3A, %eq3A_61 : vector<2x128xi32>
    %broadcast_in_dim3A_63 = vector.shape_cast %broadcast_in_dim3A_47 : vector<2x1xf32> to vector<2x1xf32>
    %broadcast_in_dim3A_64 = vector.broadcast %broadcast_in_dim3A_63 : vector<2x1xf32> to vector<2x128xf32>
    %select_n3A_65 = arith.select %eq3A_62, %broadcast_in_dim3A_64, %broadcast_in_dim3A_43 : vector<2x128xi1>, vector<2x128xf32>
    %eq3A_66 = arith.constant 0 : i32
    %eq3A_67 = vector.broadcast %eq3A_66 : i32 to vector<2x128xi32>
    %eq3A_68 = arith.cmpi eq, %iota3A, %eq3A_67 : vector<2x128xi32>
    %broadcast_in_dim3A_69 = vector.shape_cast %broadcast_in_dim3A_59 : vector<2x1xi32> to vector<2x1xi32>
    %broadcast_in_dim3A_70 = vector.broadcast %broadcast_in_dim3A_69 : vector<2x1xi32> to vector<2x128xi32>
    %select_n3A_71 = arith.select %eq3A_68, %broadcast_in_dim3A_70, %broadcast_in_dim3A_45 : vector<2x128xi1>, vector<2x128xi32>
    %eq3A_72 = vector.broadcast %broadcast_in_dim3A_51 : vector<2x1xi32> to vector<2x8xi32>
    %eq3A_73 = arith.cmpi eq, %iota3A_41, %eq3A_72 : vector<2x8xi32>
    %jit3A_74 = arith.constant -1.000000e+30 : f32
    %broadcast_in_dim3A_75 = vector.broadcast %jit3A_74 : f32 to vector<2x8xf32>
    %select_n3A_76 = arith.select %eq3A_73, %broadcast_in_dim3A_75, %concatenate3A : vector<2x8xi1>, vector<2x8xf32>
    %reduce_max3A_77 = arith.constant dense<0xFF800000> : vector<2xf32>
    %reduce_max3A_78 = vector.multi_reduction <maximumf>, %select_n3A_76, %reduce_max3A_77 [1] : vector<2x8xf32> to vector<2xf32>
    %broadcast_in_dim3A_79 = vector.shape_cast %reduce_max3A_78 : vector<2xf32> to vector<2x1xf32>
    %eq3A_80 = vector.broadcast %broadcast_in_dim3A_79 : vector<2x1xf32> to vector<2x8xf32>
    %eq3A_81 = arith.cmpf oeq, %select_n3A_76, %eq3A_80 : vector<2x8xf32>
    %jit3A_82 = arith.constant 8 : i32
    %broadcast_in_dim3A_83 = vector.broadcast %jit3A_82 : i32 to vector<2x8xi32>
    %select_n3A_84 = arith.select %eq3A_81, %iota3A_41, %broadcast_in_dim3A_83 : vector<2x8xi1>, vector<2x8xi32>
    %reduce_min3A_85 = arith.constant dense<2147483647> : vector<2xi32>
    %reduce_min3A_86 = vector.multi_reduction <minsi>, %select_n3A_84, %reduce_min3A_85 [1] : vector<2x8xi32> to vector<2xi32>
    %broadcast_in_dim3A_87 = vector.shape_cast %reduce_min3A_86 : vector<2xi32> to vector<2x1xi32>
    %eq3A_88 = vector.broadcast %broadcast_in_dim3A_87 : vector<2x1xi32> to vector<2x8xi32>
    %eq3A_89 = arith.cmpi eq, %iota3A_41, %eq3A_88 : vector<2x8xi32>
    %jit3A_90 = arith.constant 2147483647 : i32
    %broadcast_in_dim3A_91 = vector.broadcast %jit3A_90 : i32 to vector<2x8xi32>
    %select_n3A_92 = arith.select %eq3A_89, %get3A_40, %broadcast_in_dim3A_91 : vector<2x8xi1>, vector<2x8xi32>
    %reduce_min3A_93 = arith.constant dense<2147483647> : vector<2xi32>
    %reduce_min3A_94 = vector.multi_reduction <minsi>, %select_n3A_92, %reduce_min3A_93 [1] : vector<2x8xi32> to vector<2xi32>
    %broadcast_in_dim3A_95 = vector.shape_cast %reduce_min3A_94 : vector<2xi32> to vector<2x1xi32>
    %eq3A_96 = arith.constant 1 : i32
    %eq3A_97 = vector.broadcast %eq3A_96 : i32 to vector<2x128xi32>
    %eq3A_98 = arith.cmpi eq, %iota3A, %eq3A_97 : vector<2x128xi32>
    %broadcast_in_dim3A_99 = vector.shape_cast %broadcast_in_dim3A_79 : vector<2x1xf32> to vector<2x1xf32>
    %broadcast_in_dim3A_100 = vector.broadcast %broadcast_in_dim3A_99 : vector<2x1xf32> to vector<2x128xf32>
    %select_n3A_101 = arith.select %eq3A_98, %broadcast_in_dim3A_100, %select_n3A_65 : vector<2x128xi1>, vector<2x128xf32>
    %eq3A_102 = arith.constant 1 : i32
    %eq3A_103 = vector.broadcast %eq3A_102 : i32 to vector<2x128xi32>
    %eq3A_104 = arith.cmpi eq, %iota3A, %eq3A_103 : vector<2x128xi32>
    %broadcast_in_dim3A_105 = vector.shape_cast %broadcast_in_dim3A_95 : vector<2x1xi32> to vector<2x1xi32>
    %broadcast_in_dim3A_106 = vector.broadcast %broadcast_in_dim3A_105 : vector<2x1xi32> to vector<2x128xi32>
    %select_n3A_107 = arith.select %eq3A_104, %broadcast_in_dim3A_106, %select_n3A_71 : vector<2x128xi1>, vector<2x128xi32>
    %eq3A_108 = vector.broadcast %broadcast_in_dim3A_87 : vector<2x1xi32> to vector<2x8xi32>
    %eq3A_109 = arith.cmpi eq, %iota3A_41, %eq3A_108 : vector<2x8xi32>
    %jit3A_110 = arith.constant -1.000000e+30 : f32
    %broadcast_in_dim3A_111 = vector.broadcast %jit3A_110 : f32 to vector<2x8xf32>
    %select_n3A_112 = arith.select %eq3A_109, %broadcast_in_dim3A_111, %select_n3A_76 : vector<2x8xi1>, vector<2x8xf32>
    %reduce_max3A_113 = arith.constant dense<0xFF800000> : vector<2xf32>
    %reduce_max3A_114 = vector.multi_reduction <maximumf>, %select_n3A_112, %reduce_max3A_113 [1] : vector<2x8xf32> to vector<2xf32>
    %broadcast_in_dim3A_115 = vector.shape_cast %reduce_max3A_114 : vector<2xf32> to vector<2x1xf32>
    %eq3A_116 = vector.broadcast %broadcast_in_dim3A_115 : vector<2x1xf32> to vector<2x8xf32>
    %eq3A_117 = arith.cmpf oeq, %select_n3A_112, %eq3A_116 : vector<2x8xf32>
    %jit3A_118 = arith.constant 8 : i32
    %broadcast_in_dim3A_119 = vector.broadcast %jit3A_118 : i32 to vector<2x8xi32>
    %select_n3A_120 = arith.select %eq3A_117, %iota3A_41, %broadcast_in_dim3A_119 : vector<2x8xi1>, vector<2x8xi32>
    %reduce_min3A_121 = arith.constant dense<2147483647> : vector<2xi32>
    %reduce_min3A_122 = vector.multi_reduction <minsi>, %select_n3A_120, %reduce_min3A_121 [1] : vector<2x8xi32> to vector<2xi32>
    %broadcast_in_dim3A_123 = vector.shape_cast %reduce_min3A_122 : vector<2xi32> to vector<2x1xi32>
    %eq3A_124 = vector.broadcast %broadcast_in_dim3A_123 : vector<2x1xi32> to vector<2x8xi32>
    %eq3A_125 = arith.cmpi eq, %iota3A_41, %eq3A_124 : vector<2x8xi32>
    %jit3A_126 = arith.constant 2147483647 : i32
    %broadcast_in_dim3A_127 = vector.broadcast %jit3A_126 : i32 to vector<2x8xi32>
    %select_n3A_128 = arith.select %eq3A_125, %get3A_40, %broadcast_in_dim3A_127 : vector<2x8xi1>, vector<2x8xi32>
    %reduce_min3A_129 = arith.constant dense<2147483647> : vector<2xi32>
    %reduce_min3A_130 = vector.multi_reduction <minsi>, %select_n3A_128, %reduce_min3A_129 [1] : vector<2x8xi32> to vector<2xi32>
    %broadcast_in_dim3A_131 = vector.shape_cast %reduce_min3A_130 : vector<2xi32> to vector<2x1xi32>
    %eq3A_132 = arith.constant 2 : i32
    %eq3A_133 = vector.broadcast %eq3A_132 : i32 to vector<2x128xi32>
    %eq3A_134 = arith.cmpi eq, %iota3A, %eq3A_133 : vector<2x128xi32>
    %broadcast_in_dim3A_135 = vector.shape_cast %broadcast_in_dim3A_115 : vector<2x1xf32> to vector<2x1xf32>
    %broadcast_in_dim3A_136 = vector.broadcast %broadcast_in_dim3A_135 : vector<2x1xf32> to vector<2x128xf32>
    %select_n3A_137 = arith.select %eq3A_134, %broadcast_in_dim3A_136, %select_n3A_101 : vector<2x128xi1>, vector<2x128xf32>
    %eq3A_138 = arith.constant 2 : i32
    %eq3A_139 = vector.broadcast %eq3A_138 : i32 to vector<2x128xi32>
    %eq3A_140 = arith.cmpi eq, %iota3A, %eq3A_139 : vector<2x128xi32>
    %broadcast_in_dim3A_141 = vector.shape_cast %broadcast_in_dim3A_131 : vector<2x1xi32> to vector<2x1xi32>
    %broadcast_in_dim3A_142 = vector.broadcast %broadcast_in_dim3A_141 : vector<2x1xi32> to vector<2x128xi32>
    %select_n3A_143 = arith.select %eq3A_140, %broadcast_in_dim3A_142, %select_n3A_107 : vector<2x128xi1>, vector<2x128xi32>
    %eq3A_144 = vector.broadcast %broadcast_in_dim3A_123 : vector<2x1xi32> to vector<2x8xi32>
    %eq3A_145 = arith.cmpi eq, %iota3A_41, %eq3A_144 : vector<2x8xi32>
    %jit3A_146 = arith.constant -1.000000e+30 : f32
    %broadcast_in_dim3A_147 = vector.broadcast %jit3A_146 : f32 to vector<2x8xf32>
    %select_n3A_148 = arith.select %eq3A_145, %broadcast_in_dim3A_147, %select_n3A_112 : vector<2x8xi1>, vector<2x8xf32>
    %reduce_max3A_149 = arith.constant dense<0xFF800000> : vector<2xf32>
    %reduce_max3A_150 = vector.multi_reduction <maximumf>, %select_n3A_148, %reduce_max3A_149 [1] : vector<2x8xf32> to vector<2xf32>
    %broadcast_in_dim3A_151 = vector.shape_cast %reduce_max3A_150 : vector<2xf32> to vector<2x1xf32>
    %eq3A_152 = vector.broadcast %broadcast_in_dim3A_151 : vector<2x1xf32> to vector<2x8xf32>
    %eq3A_153 = arith.cmpf oeq, %select_n3A_148, %eq3A_152 : vector<2x8xf32>
    %jit3A_154 = arith.constant 8 : i32
    %broadcast_in_dim3A_155 = vector.broadcast %jit3A_154 : i32 to vector<2x8xi32>
    %select_n3A_156 = arith.select %eq3A_153, %iota3A_41, %broadcast_in_dim3A_155 : vector<2x8xi1>, vector<2x8xi32>
    %reduce_min3A_157 = arith.constant dense<2147483647> : vector<2xi32>
    %reduce_min3A_158 = vector.multi_reduction <minsi>, %select_n3A_156, %reduce_min3A_157 [1] : vector<2x8xi32> to vector<2xi32>
    %broadcast_in_dim3A_159 = vector.shape_cast %reduce_min3A_158 : vector<2xi32> to vector<2x1xi32>
    %eq3A_160 = vector.broadcast %broadcast_in_dim3A_159 : vector<2x1xi32> to vector<2x8xi32>
    %eq3A_161 = arith.cmpi eq, %iota3A_41, %eq3A_160 : vector<2x8xi32>
    %jit3A_162 = arith.constant 2147483647 : i32
    %broadcast_in_dim3A_163 = vector.broadcast %jit3A_162 : i32 to vector<2x8xi32>
    %select_n3A_164 = arith.select %eq3A_161, %get3A_40, %broadcast_in_dim3A_163 : vector<2x8xi1>, vector<2x8xi32>
    %reduce_min3A_165 = arith.constant dense<2147483647> : vector<2xi32>
    %reduce_min3A_166 = vector.multi_reduction <minsi>, %select_n3A_164, %reduce_min3A_165 [1] : vector<2x8xi32> to vector<2xi32>
    %broadcast_in_dim3A_167 = vector.shape_cast %reduce_min3A_166 : vector<2xi32> to vector<2x1xi32>
    %eq3A_168 = arith.constant 3 : i32
    %eq3A_169 = vector.broadcast %eq3A_168 : i32 to vector<2x128xi32>
    %eq3A_170 = arith.cmpi eq, %iota3A, %eq3A_169 : vector<2x128xi32>
    %broadcast_in_dim3A_171 = vector.shape_cast %broadcast_in_dim3A_151 : vector<2x1xf32> to vector<2x1xf32>
    %broadcast_in_dim3A_172 = vector.broadcast %broadcast_in_dim3A_171 : vector<2x1xf32> to vector<2x128xf32>
    %select_n3A_173 = arith.select %eq3A_170, %broadcast_in_dim3A_172, %select_n3A_137 : vector<2x128xi1>, vector<2x128xf32>
    %eq3A_174 = arith.constant 3 : i32
    %eq3A_175 = vector.broadcast %eq3A_174 : i32 to vector<2x128xi32>
    %eq3A_176 = arith.cmpi eq, %iota3A, %eq3A_175 : vector<2x128xi32>
    %broadcast_in_dim3A_177 = vector.shape_cast %broadcast_in_dim3A_167 : vector<2x1xi32> to vector<2x1xi32>
    %broadcast_in_dim3A_178 = vector.broadcast %broadcast_in_dim3A_177 : vector<2x1xi32> to vector<2x128xi32>
    %select_n3A_179 = arith.select %eq3A_176, %broadcast_in_dim3A_178, %select_n3A_143 : vector<2x128xi1>, vector<2x128xi32>
    %eq3A_180 = vector.broadcast %broadcast_in_dim3A_159 : vector<2x1xi32> to vector<2x8xi32>
    %eq3A_181 = arith.cmpi eq, %iota3A_41, %eq3A_180 : vector<2x8xi32>
    %jit3A_182 = arith.constant -1.000000e+30 : f32
    %broadcast_in_dim3A_183 = vector.broadcast %jit3A_182 : f32 to vector<2x8xf32>
    %select_n3A_184 = arith.select %eq3A_181, %broadcast_in_dim3A_183, %select_n3A_148 : vector<2x8xi1>, vector<2x8xf32>
    %reduce_max3A_185 = arith.constant dense<0xFF800000> : vector<2xf32>
    %reduce_max3A_186 = vector.multi_reduction <maximumf>, %select_n3A_184, %reduce_max3A_185 [1] : vector<2x8xf32> to vector<2xf32>
    %broadcast_in_dim3A_187 = vector.shape_cast %reduce_max3A_186 : vector<2xf32> to vector<2x1xf32>
    %eq3A_188 = vector.broadcast %broadcast_in_dim3A_187 : vector<2x1xf32> to vector<2x8xf32>
    %eq3A_189 = arith.cmpf oeq, %select_n3A_184, %eq3A_188 : vector<2x8xf32>
    %jit3A_190 = arith.constant 8 : i32
    %broadcast_in_dim3A_191 = vector.broadcast %jit3A_190 : i32 to vector<2x8xi32>
    %select_n3A_192 = arith.select %eq3A_189, %iota3A_41, %broadcast_in_dim3A_191 : vector<2x8xi1>, vector<2x8xi32>
    %reduce_min3A_193 = arith.constant dense<2147483647> : vector<2xi32>
    %reduce_min3A_194 = vector.multi_reduction <minsi>, %select_n3A_192, %reduce_min3A_193 [1] : vector<2x8xi32> to vector<2xi32>
    %broadcast_in_dim3A_195 = vector.shape_cast %reduce_min3A_194 : vector<2xi32> to vector<2x1xi32>
    %eq3A_196 = vector.broadcast %broadcast_in_dim3A_195 : vector<2x1xi32> to vector<2x8xi32>
    %eq3A_197 = arith.cmpi eq, %iota3A_41, %eq3A_196 : vector<2x8xi32>
    %jit3A_198 = arith.constant 2147483647 : i32
    %broadcast_in_dim3A_199 = vector.broadcast %jit3A_198 : i32 to vector<2x8xi32>
    %select_n3A_200 = arith.select %eq3A_197, %get3A_40, %broadcast_in_dim3A_199 : vector<2x8xi1>, vector<2x8xi32>
    %reduce_min3A_201 = arith.constant dense<2147483647> : vector<2xi32>
    %reduce_min3A_202 = vector.multi_reduction <minsi>, %select_n3A_200, %reduce_min3A_201 [1] : vector<2x8xi32> to vector<2xi32>
    %broadcast_in_dim3A_203 = vector.shape_cast %reduce_min3A_202 : vector<2xi32> to vector<2x1xi32>
    %eq3A_204 = arith.constant 4 : i32
    %eq3A_205 = vector.broadcast %eq3A_204 : i32 to vector<2x128xi32>
    %eq3A_206 = arith.cmpi eq, %iota3A, %eq3A_205 : vector<2x128xi32>
    %broadcast_in_dim3A_207 = vector.shape_cast %broadcast_in_dim3A_187 : vector<2x1xf32> to vector<2x1xf32>
    %broadcast_in_dim3A_208 = vector.broadcast %broadcast_in_dim3A_207 : vector<2x1xf32> to vector<2x128xf32>
    %select_n3A_209 = arith.select %eq3A_206, %broadcast_in_dim3A_208, %select_n3A_173 : vector<2x128xi1>, vector<2x128xf32>
    %eq3A_210 = arith.constant 4 : i32
    %eq3A_211 = vector.broadcast %eq3A_210 : i32 to vector<2x128xi32>
    %eq3A_212 = arith.cmpi eq, %iota3A, %eq3A_211 : vector<2x128xi32>
    %broadcast_in_dim3A_213 = vector.shape_cast %broadcast_in_dim3A_203 : vector<2x1xi32> to vector<2x1xi32>
    %broadcast_in_dim3A_214 = vector.broadcast %broadcast_in_dim3A_213 : vector<2x1xi32> to vector<2x128xi32>
    %select_n3A_215 = arith.select %eq3A_212, %broadcast_in_dim3A_214, %select_n3A_179 : vector<2x128xi1>, vector<2x128xi32>
    %slice3A = vector.extract_strided_slice %select_n3A_209 {offsets = [0, 0], sizes = [2, 5], strides = [1, 1]} : vector<2x128xf32> to vector<2x5xf32>
    %swap3A = arith.constant 0 : index
    %swap3A_216 = arith.constant 0 : index
    %swap3A_217 = vector.load %arg3[%swap3A, %swap3A_216] : memref<2x5xf32, #tpu.memory_space<vmem>>, vector<2x5xf32>
    tpu.vector_store %arg3[%swap3A, %swap3A_216], %slice3A {strides = array<i32>} : memref<2x5xf32, #tpu.memory_space<vmem>>, vector<2x5xf32>,
    %slice3A_218 = vector.extract_strided_slice %select_n3A_215 {offsets = [0, 0], sizes = [2, 5], strides = [1, 1]} : vector<2x128xi32> to vector<2x5xi32>
    %swap3A_219 = arith.constant 0 : index
    %swap3A_220 = arith.constant 0 : index
    %swap3A_221 = vector.load %arg4[%swap3A_219, %swap3A_220] : memref<2x5xi32, #tpu.memory_space<vmem>>, vector<2x5xi32>
    tpu.vector_store %arg4[%swap3A_219, %swap3A_220], %slice3A_218 {strides = array<i32>} : memref<2x5xi32, #tpu.memory_space<vmem>>, vector<2x5xi32>,
    %lt3A = arith.constant 5 : i32
    %lt3A_222 = vector.broadcast %lt3A : i32 to vector<2x128xi32>
    %lt3A_223 = arith.cmpi slt, %iota3A, %lt3A_222 : vector<2x128xi32>
    %jit3A_224 = arith.constant 1.000000e+30 : f32
    %broadcast_in_dim3A_225 = vector.broadcast %jit3A_224 : f32 to vector<2x128xf32>
    %select_n3A_226 = arith.select %lt3A_223, %select_n3A_209, %broadcast_in_dim3A_225 : vector<2x128xi1>, vector<2x128xf32>
    %reduce_min3A_227 = arith.constant dense<0x7F800000> : vector<2xf32>
    %reduce_min3A_228 = vector.multi_reduction <minimumf>, %select_n3A_226, %reduce_min3A_227 [1] : vector<2x128xf32> to vector<2xf32>
    %broadcast_in_dim3A_229 = vector.shape_cast %reduce_min3A_228 : vector<2xf32> to vector<2x1xf32>
    %slice3A_230 = vector.extract_strided_slice %select_n3A_209 {offsets = [0, 0], sizes = [2, 1], strides = [1, 1]} : vector<2x128xf32> to vector<2x1xf32>
    %ge3A = vector.broadcast %broadcast_in_dim3A_229 : vector<2x1xf32> to vector<2x8xf32>
    %ge3A_231 = arith.cmpf oge, %concatenate3A, %ge3A : vector<2x8xf32>
    %sub3A = vector.broadcast %slice3A_230 : vector<2x1xf32> to vector<2x8xf32>
    %sub3A_232 = arith.subf %concatenate3A, %sub3A : vector<2x8xf32>
    %exp3A = math.exp %sub3A_232 : vector<2x8xf32>
    %jit3A_233 = arith.constant 0.000000e+00 : f32
    %broadcast_in_dim3A_234 = vector.broadcast %jit3A_233 : f32 to vector<2x8xf32>
    %select_n3A_235 = arith.select %ge3A_231, %exp3A, %broadcast_in_dim3A_234 : vector<2x8xi1>, vector<2x8xf32>
    %reduce_sum3A_236 = arith.constant dense<0.000000e+00> : vector<2xf32>
    %reduce_sum3A_237 = vector.multi_reduction <add>, %select_n3A_235, %reduce_sum3A_236 [1] : vector<2x8xf32> to vector<2xf32>
    %broadcast_in_dim3A_238 = vector.shape_cast %reduce_sum3A_237 : vector<2xf32> to vector<2x1xf32>
    %div3A_239 = vector.broadcast %broadcast_in_dim3A_238 : vector<2x1xf32> to vector<2x8xf32>
    %div3A_240 = arith.divf %select_n3A_235, %div3A_239 : vector<2x8xf32>
    %slice3A_241 = vector.extract_strided_slice %div3A_240 {offsets = [0, 0], sizes = [1, 8], strides = [1, 1]} : vector<2x8xf32> to vector<1x8xf32>
    %dot_general3A_242 = arith.constant dense<0.000000e+00> : vector<1x1024xf32>
    %dot_general3A_243 = tpu.matmul %slice3A_241, %mul3A_10, %dot_general3A_242 {dimension_numbers = #tpu.dot_dimension_numbers<[1], [0], [0], [1], [0, 0, 1, 1], [], []>, transpose_lhs_hint = false} : vector<1x8xf32>, vector<8x1024xf32>, vector<1x1024xf32> -> vector<1x1024xf32>
    %swap3A_244 = arith.constant 0 : index
    %swap3A_245 = arith.constant 0 : index
    %swap3A_246 = arith.constant 0 : index
    %swap3A_247 = vector.load %arg5[%swap3A_244, %swap3A_245, %swap3A_246] : memref<2x1x1024xf32, #tpu.memory_space<vmem>>, vector<1x1x1024xf32>
    %swap3A_248 = vector.shape_cast %swap3A_247 : vector<1x1x1024xf32> to vector<1x1024xf32>
    %swap3A_249 = vector.shape_cast %dot_general3A_243 : vector<1x1024xf32> to vector<1x1x1024xf32>
    tpu.vector_store %arg5[%swap3A_244, %swap3A_245, %swap3A_246], %swap3A_249 {strides = array<i32>} : memref<2x1x1024xf32, #tpu.memory_space<vmem>>, vector<1x1x1024xf32>,
    %slice3A_250 = vector.extract_strided_slice %div3A_240 {offsets = [1, 0], sizes = [1, 8], strides = [1, 1]} : vector<2x8xf32> to vector<1x8xf32>
    %dot_general3A_251 = arith.constant dense<0.000000e+00> : vector<1x1024xf32>
    %dot_general3A_252 = tpu.matmul %slice3A_250, %mul3A_32, %dot_general3A_251 {dimension_numbers = #tpu.dot_dimension_numbers<[1], [0], [0], [1], [0, 0, 1, 1], [], []>, transpose_lhs_hint = false} : vector<1x8xf32>, vector<8x1024xf32>, vector<1x1024xf32> -> vector<1x1024xf32>
    %swap3A_253 = arith.constant 1 : index
    %swap3A_254 = arith.constant 0 : index
    %swap3A_255 = arith.constant 0 : index
    %swap3A_256 = vector.load %arg5[%swap3A_253, %swap3A_254, %swap3A_255] : memref<2x1x1024xf32, #tpu.memory_space<vmem>>, vector<1x1x1024xf32>
    %swap3A_257 = vector.shape_cast %swap3A_256 : vector<1x1x1024xf32> to vector<1x1024xf32>
    %swap3A_258 = vector.shape_cast %dot_general3A_252 : vector<1x1024xf32> to vector<1x1x1024xf32>
    tpu.vector_store %arg5[%swap3A_253, %swap3A_254, %swap3A_255], %swap3A_258 {strides = array<i32>} : memref<2x1x1024xf32, #tpu.memory_space<vmem>>, vector<1x1x1024xf32>,
    return
  }
}

module attributes {stable_mosaic.version = 14 : i64} {
  func.func @_stream_body(%arg0: i32, %arg1: memref<2x2048x1024xf32, #tpu.memory_space<vmem>>, %arg2: memref<1024x1024xf32, #tpu.memory_space<vmem>>, %arg3: memref<1024xf32, #tpu.memory_space<vmem>>, %arg4: memref<4096x1024xf32, #tpu.memory_space<vmem>>, %arg5: memref<2x8xi32, #tpu.memory_space<vmem>>, %arg6: memref<2x1024xf32, #tpu.memory_space<vmem>>, %arg7: memref<2x1024xf32, #tpu.memory_space<vmem>>, %arg8: memref<2x102400xf32, #tpu.memory_space<vmem>>) attributes {dimension_semantics = [#tpu.dimension_semantics<arbitrary>], iteration_bounds = array<i64: 25>, scalar_prefetch = 0 : i64, scratch_operands = 2 : i64, tpu.core_type = #tpu.core_type<tc>, window_params = [{pipeline_mode = #tpu.pipeline_mode<synchronous>, transform_indices = @transform_0, window_bounds = array<i64: 2, 2048, 1024>}, {pipeline_mode = #tpu.pipeline_mode<synchronous>, transform_indices = @transform_1, window_bounds = array<i64: 1024, 1024>}, {pipeline_mode = #tpu.pipeline_mode<synchronous>, transform_indices = @transform_2, window_bounds = array<i64: 1024>}, {transform_indices = @transform_3, window_bounds = array<i64: 4096, 1024>}, {pipeline_mode = #tpu.pipeline_mode<synchronous>, transform_indices = @transform_4, window_bounds = array<i64: 2, 8>}, {pipeline_mode = #tpu.pipeline_mode<synchronous>, transform_indices = @transform_5, window_bounds = array<i64: 2, 1024>}]} {
    %eq3A = arith.constant 0 : i32
    %eq3A_0 = arith.cmpi eq, %arg0, %eq3A : i32
    %convert_element_type3A = arith.extui %eq3A_0 : i1 to i32
    %cond3A = arith.constant 0 : i32
    %cond3A_1 = arith.cmpi ne, %convert_element_type3A, %cond3A : i32
    scf.if %cond3A_1 {
      %get3A_30 = arith.constant 0 : index
      %get3A_31 = arith.constant 0 : index
      %get3A_32 = arith.constant 0 : index
      %get3A_33 = vector.load %arg1[%get3A_30, %get3A_31, %get3A_32] : memref<2x2048x1024xf32, #tpu.memory_space<vmem>>, vector<2x2048x1024xf32>
      %reduce_sum3A = arith.constant dense<0.000000e+00> : vector<2x1024xf32>
      %reduce_sum3A_34 = vector.multi_reduction <add>, %get3A_33, %reduce_sum3A [1] : vector<2x2048x1024xf32> to vector<2x1024xf32>
      %div3A = arith.constant 2.048000e+03 : f32
      %div3A_35 = vector.broadcast %div3A : f32 to vector<2x1024xf32>
      %div3A_36 = arith.divf %reduce_sum3A_34, %div3A_35 : vector<2x1024xf32>
      %get3A_37 = arith.constant 0 : index
      %get3A_38 = arith.constant 0 : index
      %get3A_39 = vector.load %arg2[%get3A_37, %get3A_38] : memref<1024x1024xf32, #tpu.memory_space<vmem>>, vector<1024x1024xf32>
      %dot_general3A_40 = arith.constant dense<0.000000e+00> : vector<2x1024xf32>
      %dot_general3A_41 = tpu.matmul %div3A_36, %get3A_39, %dot_general3A_40 {dimension_numbers = #tpu.dot_dimension_numbers<[1], [1], [0], [0], [0, 0, 1, 0], [], []>, transpose_lhs_hint = false} : vector<2x1024xf32>, vector<1024x1024xf32>, vector<2x1024xf32> -> vector<2x1024xf32>
      %get3A_42 = arith.constant 0 : index
      %get3A_43 = vector.load %arg3[%get3A_42] : memref<1024xf32, #tpu.memory_space<vmem>>, vector<1024xf32>
      %broadcast_in_dim3A_44 = vector.shape_cast %get3A_43 : vector<1024xf32> to vector<1x1024xf32>
      %add3A_45 = vector.broadcast %broadcast_in_dim3A_44 : vector<1x1024xf32> to vector<2x1024xf32>
      %add3A_46 = arith.addf %dot_general3A_41, %add3A_45 : vector<2x1024xf32>
      %mul3A_47 = arith.mulf %add3A_46, %add3A_46 : vector<2x1024xf32>
      %reduce_sum3A_48 = arith.constant dense<0.000000e+00> : vector<2xf32>
      %reduce_sum3A_49 = vector.multi_reduction <add>, %mul3A_47, %reduce_sum3A_48 [1] : vector<2x1024xf32> to vector<2xf32>
      %broadcast_in_dim3A_50 = vector.shape_cast %reduce_sum3A_49 : vector<2xf32> to vector<2x1xf32>
      %sqrt3A = math.sqrt %broadcast_in_dim3A_50 : vector<2x1xf32>
      %max3A_51 = arith.constant 9.99999996E-13 : f32
      %max3A_52 = vector.broadcast %max3A_51 : f32 to vector<2x1xf32>
      %max3A_53 = arith.maximumf %sqrt3A, %max3A_52 : vector<2x1xf32>
      %div3A_54 = arith.constant 1.000000e+00 : f32
      %div3A_55 = vector.broadcast %div3A_54 : f32 to vector<2x1xf32>
      %div3A_56 = arith.divf %div3A_55, %max3A_53 : vector<2x1xf32>
      %mul3A_57 = vector.broadcast %div3A_56 : vector<2x1xf32> to vector<2x1024xf32>
      %mul3A_58 = arith.mulf %add3A_46, %mul3A_57 : vector<2x1024xf32>
      %swap3A_59 = arith.constant 0 : index
      %swap3A_60 = arith.constant 0 : index
      %swap3A_61 = vector.load %arg7[%swap3A_59, %swap3A_60] : memref<2x1024xf32, #tpu.memory_space<vmem>>, vector<2x1024xf32>
      tpu.vector_store %arg7[%swap3A_59, %swap3A_60], %mul3A_58 {strides = array<i32>} : memref<2x1024xf32, #tpu.memory_space<vmem>>, vector<2x1024xf32>,
    } else {
    }
    %get3A = arith.constant 0 : index
    %get3A_2 = arith.constant 0 : index
    %get3A_3 = vector.load %arg4[%get3A, %get3A_2] : memref<4096x1024xf32, #tpu.memory_space<vmem>>, vector<4096x1024xf32>
    %get3A_4 = arith.constant 0 : index
    %get3A_5 = arith.constant 0 : index
    %get3A_6 = vector.load %arg7[%get3A_4, %get3A_5] : memref<2x1024xf32, #tpu.memory_space<vmem>>, vector<2x1024xf32>
    %dot_general3A = arith.constant dense<0.000000e+00> : vector<2x4096xf32>
    %dot_general3A_7 = tpu.matmul %get3A_6, %get3A_3, %dot_general3A {dimension_numbers = #tpu.dot_dimension_numbers<[1], [1], [0], [0], [0, 0, 1, 0], [], []>, transpose_lhs_hint = false} : vector<2x1024xf32>, vector<4096x1024xf32>, vector<2x4096xf32> -> vector<2x4096xf32>
    %broadcast_in_dim3A = arith.constant 1.000000e+00 : f32
    %broadcast_in_dim3A_8 = vector.broadcast %broadcast_in_dim3A : f32 to vector<1x1024xf32>
    %mul3A = arith.mulf %get3A_3, %get3A_3 : vector<4096x1024xf32>
    %dot_general3A_9 = arith.constant dense<0.000000e+00> : vector<1x4096xf32>
    %dot_general3A_10 = tpu.matmul %broadcast_in_dim3A_8, %mul3A, %dot_general3A_9 {dimension_numbers = #tpu.dot_dimension_numbers<[1], [1], [0], [0], [0, 0, 1, 0], [], []>, transpose_lhs_hint = false} : vector<1x1024xf32>, vector<4096x1024xf32>, vector<1x4096xf32> -> vector<1x4096xf32>
    %max3A = arith.constant 1.000000e-24 : f32
    %max3A_11 = vector.broadcast %max3A : f32 to vector<1x4096xf32>
    %max3A_12 = arith.maximumf %dot_general3A_10, %max3A_11 : vector<1x4096xf32>
    %rsqrt3A = math.rsqrt %max3A_12 : vector<1x4096xf32>
    %mul3A_13 = vector.broadcast %rsqrt3A : vector<1x4096xf32> to vector<2x4096xf32>
    %mul3A_14 = arith.mulf %dot_general3A_7, %mul3A_13 : vector<2x4096xf32>
    %iota3A = tpu.iota {dimensions = array<i32: 1>} : vector<2x4096xi32>
    %mul3A_15 = arith.constant 4096 : i32
    %mul3A_16 = arith.muli %arg0, %mul3A_15 : i32
    %add3A = vector.broadcast %mul3A_16 : i32 to vector<2x4096xi32>
    %add3A_17 = arith.addi %iota3A, %add3A : vector<2x4096xi32>
    %lt3A = arith.constant 100000 : i32
    %lt3A_18 = vector.broadcast %lt3A : i32 to vector<2x4096xi32>
    %lt3A_19 = arith.cmpi slt, %add3A_17, %lt3A_18 : vector<2x4096xi32>
    %jit3A = arith.constant -1.000000e+30 : f32
    %broadcast_in_dim3A_20 = vector.broadcast %jit3A : f32 to vector<2x4096xf32>
    %select_n3A = arith.select %lt3A_19, %mul3A_14, %broadcast_in_dim3A_20 : vector<2x4096xi1>, vector<2x4096xf32>
    %mul3A_21 = arith.constant 4096 : i32
    %mul3A_22 = arith.muli %arg0, %mul3A_21 : i32
    %multiple_of3A = tpu.assume_multiple %mul3A_22, 4096 : i32
    %swap3A = arith.constant 0 : index
    %swap3A_23 = arith.index_cast %multiple_of3A : i32 to index
    %swap3A_24 = vector.load %arg8[%swap3A, %swap3A_23] : memref<2x102400xf32, #tpu.memory_space<vmem>>, vector<2x4096xf32>
    tpu.vector_store %arg8[%swap3A, %swap3A_23], %select_n3A {strides = array<i32>} : memref<2x102400xf32, #tpu.memory_space<vmem>>, vector<2x4096xf32>,
    %eq3A_25 = arith.constant 24 : i32
    %eq3A_26 = arith.cmpi eq, %arg0, %eq3A_25 : i32
    %convert_element_type3A_27 = arith.extui %eq3A_26 : i1 to i32
    %cond3A_28 = arith.constant 0 : i32
    %cond3A_29 = arith.cmpi ne, %convert_element_type3A_27, %cond3A_28 : i32
    scf.if %cond3A_29 {
      %iota3A_30 = tpu.iota {dimensions = array<i32: 1>} : vector<2x128xi32>
      %broadcast_in_dim3A_31 = arith.constant 0 : i32
      %broadcast_in_dim3A_32 = vector.broadcast %broadcast_in_dim3A_31 : i32 to vector<2x128xi32>
      %get3A_33 = arith.constant 0 : index
      %get3A_34 = arith.constant 0 : index
      %get3A_35 = vector.load %arg8[%get3A_33, %get3A_34] : memref<2x102400xf32, #tpu.memory_space<vmem>>, vector<2x102400xf32>
      %iota3A_36 = tpu.iota {dimensions = array<i32: 1>} : vector<2x102400xi32>
      %reduce_max3A = arith.constant dense<0xFF800000> : vector<2xf32>
      %reduce_max3A_37 = vector.multi_reduction <maximumf>, %get3A_35, %reduce_max3A [1] : vector<2x102400xf32> to vector<2xf32>
      %broadcast_in_dim3A_38 = vector.shape_cast %reduce_max3A_37 : vector<2xf32> to vector<2x1xf32>
      %eq3A_39 = vector.broadcast %broadcast_in_dim3A_38 : vector<2x1xf32> to vector<2x102400xf32>
      %eq3A_40 = arith.cmpf oeq, %get3A_35, %eq3A_39 : vector<2x102400xf32>
      %jit3A_41 = arith.constant 2147483647 : i32
      %broadcast_in_dim3A_42 = vector.broadcast %jit3A_41 : i32 to vector<2x102400xi32>
      %select_n3A_43 = arith.select %eq3A_40, %iota3A_36, %broadcast_in_dim3A_42 : vector<2x102400xi1>, vector<2x102400xi32>
      %reduce_min3A = arith.constant dense<2147483647> : vector<2xi32>
      %reduce_min3A_44 = vector.multi_reduction <minsi>, %select_n3A_43, %reduce_min3A [1] : vector<2x102400xi32> to vector<2xi32>
      %broadcast_in_dim3A_45 = vector.shape_cast %reduce_min3A_44 : vector<2xi32> to vector<2x1xi32>
      %eq3A_46 = arith.constant 0 : i32
      %eq3A_47 = vector.broadcast %eq3A_46 : i32 to vector<2x128xi32>
      %eq3A_48 = arith.cmpi eq, %iota3A_30, %eq3A_47 : vector<2x128xi32>
      %broadcast_in_dim3A_49 = vector.shape_cast %broadcast_in_dim3A_45 : vector<2x1xi32> to vector<2x1xi32>
      %broadcast_in_dim3A_50 = vector.broadcast %broadcast_in_dim3A_49 : vector<2x1xi32> to vector<2x128xi32>
      %select_n3A_51 = arith.select %eq3A_48, %broadcast_in_dim3A_50, %broadcast_in_dim3A_32 : vector<2x128xi1>, vector<2x128xi32>
      %eq3A_52 = vector.broadcast %broadcast_in_dim3A_45 : vector<2x1xi32> to vector<2x102400xi32>
      %eq3A_53 = arith.cmpi eq, %iota3A_36, %eq3A_52 : vector<2x102400xi32>
      %jit3A_54 = arith.constant -1.000000e+30 : f32
      %broadcast_in_dim3A_55 = vector.broadcast %jit3A_54 : f32 to vector<2x102400xf32>
      %select_n3A_56 = arith.select %eq3A_53, %broadcast_in_dim3A_55, %get3A_35 : vector<2x102400xi1>, vector<2x102400xf32>
      %swap3A_57 = arith.constant 0 : index
      %swap3A_58 = arith.constant 0 : index
      %swap3A_59 = vector.load %arg8[%swap3A_57, %swap3A_58] : memref<2x102400xf32, #tpu.memory_space<vmem>>, vector<2x102400xf32>
      tpu.vector_store %arg8[%swap3A_57, %swap3A_58], %select_n3A_56 {strides = array<i32>} : memref<2x102400xf32, #tpu.memory_space<vmem>>, vector<2x102400xf32>,
      %get3A_60 = arith.constant 0 : index
      %get3A_61 = arith.constant 0 : index
      %get3A_62 = vector.load %arg8[%get3A_60, %get3A_61] : memref<2x102400xf32, #tpu.memory_space<vmem>>, vector<2x102400xf32>
      %iota3A_63 = tpu.iota {dimensions = array<i32: 1>} : vector<2x102400xi32>
      %reduce_max3A_64 = arith.constant dense<0xFF800000> : vector<2xf32>
      %reduce_max3A_65 = vector.multi_reduction <maximumf>, %get3A_62, %reduce_max3A_64 [1] : vector<2x102400xf32> to vector<2xf32>
      %broadcast_in_dim3A_66 = vector.shape_cast %reduce_max3A_65 : vector<2xf32> to vector<2x1xf32>
      %eq3A_67 = vector.broadcast %broadcast_in_dim3A_66 : vector<2x1xf32> to vector<2x102400xf32>
      %eq3A_68 = arith.cmpf oeq, %get3A_62, %eq3A_67 : vector<2x102400xf32>
      %jit3A_69 = arith.constant 2147483647 : i32
      %broadcast_in_dim3A_70 = vector.broadcast %jit3A_69 : i32 to vector<2x102400xi32>
      %select_n3A_71 = arith.select %eq3A_68, %iota3A_63, %broadcast_in_dim3A_70 : vector<2x102400xi1>, vector<2x102400xi32>
      %reduce_min3A_72 = arith.constant dense<2147483647> : vector<2xi32>
      %reduce_min3A_73 = vector.multi_reduction <minsi>, %select_n3A_71, %reduce_min3A_72 [1] : vector<2x102400xi32> to vector<2xi32>
      %broadcast_in_dim3A_74 = vector.shape_cast %reduce_min3A_73 : vector<2xi32> to vector<2x1xi32>
      %eq3A_75 = arith.constant 1 : i32
      %eq3A_76 = vector.broadcast %eq3A_75 : i32 to vector<2x128xi32>
      %eq3A_77 = arith.cmpi eq, %iota3A_30, %eq3A_76 : vector<2x128xi32>
      %broadcast_in_dim3A_78 = vector.shape_cast %broadcast_in_dim3A_74 : vector<2x1xi32> to vector<2x1xi32>
      %broadcast_in_dim3A_79 = vector.broadcast %broadcast_in_dim3A_78 : vector<2x1xi32> to vector<2x128xi32>
      %select_n3A_80 = arith.select %eq3A_77, %broadcast_in_dim3A_79, %select_n3A_51 : vector<2x128xi1>, vector<2x128xi32>
      %eq3A_81 = vector.broadcast %broadcast_in_dim3A_74 : vector<2x1xi32> to vector<2x102400xi32>
      %eq3A_82 = arith.cmpi eq, %iota3A_63, %eq3A_81 : vector<2x102400xi32>
      %jit3A_83 = arith.constant -1.000000e+30 : f32
      %broadcast_in_dim3A_84 = vector.broadcast %jit3A_83 : f32 to vector<2x102400xf32>
      %select_n3A_85 = arith.select %eq3A_82, %broadcast_in_dim3A_84, %get3A_62 : vector<2x102400xi1>, vector<2x102400xf32>
      %swap3A_86 = arith.constant 0 : index
      %swap3A_87 = arith.constant 0 : index
      %swap3A_88 = vector.load %arg8[%swap3A_86, %swap3A_87] : memref<2x102400xf32, #tpu.memory_space<vmem>>, vector<2x102400xf32>
      tpu.vector_store %arg8[%swap3A_86, %swap3A_87], %select_n3A_85 {strides = array<i32>} : memref<2x102400xf32, #tpu.memory_space<vmem>>, vector<2x102400xf32>,
      %get3A_89 = arith.constant 0 : index
      %get3A_90 = arith.constant 0 : index
      %get3A_91 = vector.load %arg8[%get3A_89, %get3A_90] : memref<2x102400xf32, #tpu.memory_space<vmem>>, vector<2x102400xf32>
      %iota3A_92 = tpu.iota {dimensions = array<i32: 1>} : vector<2x102400xi32>
      %reduce_max3A_93 = arith.constant dense<0xFF800000> : vector<2xf32>
      %reduce_max3A_94 = vector.multi_reduction <maximumf>, %get3A_91, %reduce_max3A_93 [1] : vector<2x102400xf32> to vector<2xf32>
      %broadcast_in_dim3A_95 = vector.shape_cast %reduce_max3A_94 : vector<2xf32> to vector<2x1xf32>
      %eq3A_96 = vector.broadcast %broadcast_in_dim3A_95 : vector<2x1xf32> to vector<2x102400xf32>
      %eq3A_97 = arith.cmpf oeq, %get3A_91, %eq3A_96 : vector<2x102400xf32>
      %jit3A_98 = arith.constant 2147483647 : i32
      %broadcast_in_dim3A_99 = vector.broadcast %jit3A_98 : i32 to vector<2x102400xi32>
      %select_n3A_100 = arith.select %eq3A_97, %iota3A_92, %broadcast_in_dim3A_99 : vector<2x102400xi1>, vector<2x102400xi32>
      %reduce_min3A_101 = arith.constant dense<2147483647> : vector<2xi32>
      %reduce_min3A_102 = vector.multi_reduction <minsi>, %select_n3A_100, %reduce_min3A_101 [1] : vector<2x102400xi32> to vector<2xi32>
      %broadcast_in_dim3A_103 = vector.shape_cast %reduce_min3A_102 : vector<2xi32> to vector<2x1xi32>
      %eq3A_104 = arith.constant 2 : i32
      %eq3A_105 = vector.broadcast %eq3A_104 : i32 to vector<2x128xi32>
      %eq3A_106 = arith.cmpi eq, %iota3A_30, %eq3A_105 : vector<2x128xi32>
      %broadcast_in_dim3A_107 = vector.shape_cast %broadcast_in_dim3A_103 : vector<2x1xi32> to vector<2x1xi32>
      %broadcast_in_dim3A_108 = vector.broadcast %broadcast_in_dim3A_107 : vector<2x1xi32> to vector<2x128xi32>
      %select_n3A_109 = arith.select %eq3A_106, %broadcast_in_dim3A_108, %select_n3A_80 : vector<2x128xi1>, vector<2x128xi32>
      %eq3A_110 = vector.broadcast %broadcast_in_dim3A_103 : vector<2x1xi32> to vector<2x102400xi32>
      %eq3A_111 = arith.cmpi eq, %iota3A_92, %eq3A_110 : vector<2x102400xi32>
      %jit3A_112 = arith.constant -1.000000e+30 : f32
      %broadcast_in_dim3A_113 = vector.broadcast %jit3A_112 : f32 to vector<2x102400xf32>
      %select_n3A_114 = arith.select %eq3A_111, %broadcast_in_dim3A_113, %get3A_91 : vector<2x102400xi1>, vector<2x102400xf32>
      %swap3A_115 = arith.constant 0 : index
      %swap3A_116 = arith.constant 0 : index
      %swap3A_117 = vector.load %arg8[%swap3A_115, %swap3A_116] : memref<2x102400xf32, #tpu.memory_space<vmem>>, vector<2x102400xf32>
      tpu.vector_store %arg8[%swap3A_115, %swap3A_116], %select_n3A_114 {strides = array<i32>} : memref<2x102400xf32, #tpu.memory_space<vmem>>, vector<2x102400xf32>,
      %get3A_118 = arith.constant 0 : index
      %get3A_119 = arith.constant 0 : index
      %get3A_120 = vector.load %arg8[%get3A_118, %get3A_119] : memref<2x102400xf32, #tpu.memory_space<vmem>>, vector<2x102400xf32>
      %iota3A_121 = tpu.iota {dimensions = array<i32: 1>} : vector<2x102400xi32>
      %reduce_max3A_122 = arith.constant dense<0xFF800000> : vector<2xf32>
      %reduce_max3A_123 = vector.multi_reduction <maximumf>, %get3A_120, %reduce_max3A_122 [1] : vector<2x102400xf32> to vector<2xf32>
      %broadcast_in_dim3A_124 = vector.shape_cast %reduce_max3A_123 : vector<2xf32> to vector<2x1xf32>
      %eq3A_125 = vector.broadcast %broadcast_in_dim3A_124 : vector<2x1xf32> to vector<2x102400xf32>
      %eq3A_126 = arith.cmpf oeq, %get3A_120, %eq3A_125 : vector<2x102400xf32>
      %jit3A_127 = arith.constant 2147483647 : i32
      %broadcast_in_dim3A_128 = vector.broadcast %jit3A_127 : i32 to vector<2x102400xi32>
      %select_n3A_129 = arith.select %eq3A_126, %iota3A_121, %broadcast_in_dim3A_128 : vector<2x102400xi1>, vector<2x102400xi32>
      %reduce_min3A_130 = arith.constant dense<2147483647> : vector<2xi32>
      %reduce_min3A_131 = vector.multi_reduction <minsi>, %select_n3A_129, %reduce_min3A_130 [1] : vector<2x102400xi32> to vector<2xi32>
      %broadcast_in_dim3A_132 = vector.shape_cast %reduce_min3A_131 : vector<2xi32> to vector<2x1xi32>
      %eq3A_133 = arith.constant 3 : i32
      %eq3A_134 = vector.broadcast %eq3A_133 : i32 to vector<2x128xi32>
      %eq3A_135 = arith.cmpi eq, %iota3A_30, %eq3A_134 : vector<2x128xi32>
      %broadcast_in_dim3A_136 = vector.shape_cast %broadcast_in_dim3A_132 : vector<2x1xi32> to vector<2x1xi32>
      %broadcast_in_dim3A_137 = vector.broadcast %broadcast_in_dim3A_136 : vector<2x1xi32> to vector<2x128xi32>
      %select_n3A_138 = arith.select %eq3A_135, %broadcast_in_dim3A_137, %select_n3A_109 : vector<2x128xi1>, vector<2x128xi32>
      %eq3A_139 = vector.broadcast %broadcast_in_dim3A_132 : vector<2x1xi32> to vector<2x102400xi32>
      %eq3A_140 = arith.cmpi eq, %iota3A_121, %eq3A_139 : vector<2x102400xi32>
      %jit3A_141 = arith.constant -1.000000e+30 : f32
      %broadcast_in_dim3A_142 = vector.broadcast %jit3A_141 : f32 to vector<2x102400xf32>
      %select_n3A_143 = arith.select %eq3A_140, %broadcast_in_dim3A_142, %get3A_120 : vector<2x102400xi1>, vector<2x102400xf32>
      %swap3A_144 = arith.constant 0 : index
      %swap3A_145 = arith.constant 0 : index
      %swap3A_146 = vector.load %arg8[%swap3A_144, %swap3A_145] : memref<2x102400xf32, #tpu.memory_space<vmem>>, vector<2x102400xf32>
      tpu.vector_store %arg8[%swap3A_144, %swap3A_145], %select_n3A_143 {strides = array<i32>} : memref<2x102400xf32, #tpu.memory_space<vmem>>, vector<2x102400xf32>,
      %get3A_147 = arith.constant 0 : index
      %get3A_148 = arith.constant 0 : index
      %get3A_149 = vector.load %arg8[%get3A_147, %get3A_148] : memref<2x102400xf32, #tpu.memory_space<vmem>>, vector<2x102400xf32>
      %iota3A_150 = tpu.iota {dimensions = array<i32: 1>} : vector<2x102400xi32>
      %reduce_max3A_151 = arith.constant dense<0xFF800000> : vector<2xf32>
      %reduce_max3A_152 = vector.multi_reduction <maximumf>, %get3A_149, %reduce_max3A_151 [1] : vector<2x102400xf32> to vector<2xf32>
      %broadcast_in_dim3A_153 = vector.shape_cast %reduce_max3A_152 : vector<2xf32> to vector<2x1xf32>
      %eq3A_154 = vector.broadcast %broadcast_in_dim3A_153 : vector<2x1xf32> to vector<2x102400xf32>
      %eq3A_155 = arith.cmpf oeq, %get3A_149, %eq3A_154 : vector<2x102400xf32>
      %jit3A_156 = arith.constant 2147483647 : i32
      %broadcast_in_dim3A_157 = vector.broadcast %jit3A_156 : i32 to vector<2x102400xi32>
      %select_n3A_158 = arith.select %eq3A_155, %iota3A_150, %broadcast_in_dim3A_157 : vector<2x102400xi1>, vector<2x102400xi32>
      %reduce_min3A_159 = arith.constant dense<2147483647> : vector<2xi32>
      %reduce_min3A_160 = vector.multi_reduction <minsi>, %select_n3A_158, %reduce_min3A_159 [1] : vector<2x102400xi32> to vector<2xi32>
      %broadcast_in_dim3A_161 = vector.shape_cast %reduce_min3A_160 : vector<2xi32> to vector<2x1xi32>
      %eq3A_162 = arith.constant 4 : i32
      %eq3A_163 = vector.broadcast %eq3A_162 : i32 to vector<2x128xi32>
      %eq3A_164 = arith.cmpi eq, %iota3A_30, %eq3A_163 : vector<2x128xi32>
      %broadcast_in_dim3A_165 = vector.shape_cast %broadcast_in_dim3A_161 : vector<2x1xi32> to vector<2x1xi32>
      %broadcast_in_dim3A_166 = vector.broadcast %broadcast_in_dim3A_165 : vector<2x1xi32> to vector<2x128xi32>
      %select_n3A_167 = arith.select %eq3A_164, %broadcast_in_dim3A_166, %select_n3A_138 : vector<2x128xi1>, vector<2x128xi32>
      %eq3A_168 = vector.broadcast %broadcast_in_dim3A_161 : vector<2x1xi32> to vector<2x102400xi32>
      %eq3A_169 = arith.cmpi eq, %iota3A_150, %eq3A_168 : vector<2x102400xi32>
      %jit3A_170 = arith.constant -1.000000e+30 : f32
      %broadcast_in_dim3A_171 = vector.broadcast %jit3A_170 : f32 to vector<2x102400xf32>
      %select_n3A_172 = arith.select %eq3A_169, %broadcast_in_dim3A_171, %get3A_149 : vector<2x102400xi1>, vector<2x102400xf32>
      %swap3A_173 = arith.constant 0 : index
      %swap3A_174 = arith.constant 0 : index
      %swap3A_175 = vector.load %arg8[%swap3A_173, %swap3A_174] : memref<2x102400xf32, #tpu.memory_space<vmem>>, vector<2x102400xf32>
      tpu.vector_store %arg8[%swap3A_173, %swap3A_174], %select_n3A_172 {strides = array<i32>} : memref<2x102400xf32, #tpu.memory_space<vmem>>, vector<2x102400xf32>,
      %get3A_176 = arith.constant 0 : index
      %get3A_177 = arith.constant 0 : index
      %get3A_178 = vector.load %arg8[%get3A_176, %get3A_177] : memref<2x102400xf32, #tpu.memory_space<vmem>>, vector<2x102400xf32>
      %iota3A_179 = tpu.iota {dimensions = array<i32: 1>} : vector<2x102400xi32>
      %reduce_max3A_180 = arith.constant dense<0xFF800000> : vector<2xf32>
      %reduce_max3A_181 = vector.multi_reduction <maximumf>, %get3A_178, %reduce_max3A_180 [1] : vector<2x102400xf32> to vector<2xf32>
      %broadcast_in_dim3A_182 = vector.shape_cast %reduce_max3A_181 : vector<2xf32> to vector<2x1xf32>
      %eq3A_183 = vector.broadcast %broadcast_in_dim3A_182 : vector<2x1xf32> to vector<2x102400xf32>
      %eq3A_184 = arith.cmpf oeq, %get3A_178, %eq3A_183 : vector<2x102400xf32>
      %jit3A_185 = arith.constant 2147483647 : i32
      %broadcast_in_dim3A_186 = vector.broadcast %jit3A_185 : i32 to vector<2x102400xi32>
      %select_n3A_187 = arith.select %eq3A_184, %iota3A_179, %broadcast_in_dim3A_186 : vector<2x102400xi1>, vector<2x102400xi32>
      %reduce_min3A_188 = arith.constant dense<2147483647> : vector<2xi32>
      %reduce_min3A_189 = vector.multi_reduction <minsi>, %select_n3A_187, %reduce_min3A_188 [1] : vector<2x102400xi32> to vector<2xi32>
      %broadcast_in_dim3A_190 = vector.shape_cast %reduce_min3A_189 : vector<2xi32> to vector<2x1xi32>
      %eq3A_191 = arith.constant 5 : i32
      %eq3A_192 = vector.broadcast %eq3A_191 : i32 to vector<2x128xi32>
      %eq3A_193 = arith.cmpi eq, %iota3A_30, %eq3A_192 : vector<2x128xi32>
      %broadcast_in_dim3A_194 = vector.shape_cast %broadcast_in_dim3A_190 : vector<2x1xi32> to vector<2x1xi32>
      %broadcast_in_dim3A_195 = vector.broadcast %broadcast_in_dim3A_194 : vector<2x1xi32> to vector<2x128xi32>
      %select_n3A_196 = arith.select %eq3A_193, %broadcast_in_dim3A_195, %select_n3A_167 : vector<2x128xi1>, vector<2x128xi32>
      %eq3A_197 = vector.broadcast %broadcast_in_dim3A_190 : vector<2x1xi32> to vector<2x102400xi32>
      %eq3A_198 = arith.cmpi eq, %iota3A_179, %eq3A_197 : vector<2x102400xi32>
      %jit3A_199 = arith.constant -1.000000e+30 : f32
      %broadcast_in_dim3A_200 = vector.broadcast %jit3A_199 : f32 to vector<2x102400xf32>
      %select_n3A_201 = arith.select %eq3A_198, %broadcast_in_dim3A_200, %get3A_178 : vector<2x102400xi1>, vector<2x102400xf32>
      %swap3A_202 = arith.constant 0 : index
      %swap3A_203 = arith.constant 0 : index
      %swap3A_204 = vector.load %arg8[%swap3A_202, %swap3A_203] : memref<2x102400xf32, #tpu.memory_space<vmem>>, vector<2x102400xf32>
      tpu.vector_store %arg8[%swap3A_202, %swap3A_203], %select_n3A_201 {strides = array<i32>} : memref<2x102400xf32, #tpu.memory_space<vmem>>, vector<2x102400xf32>,
      %get3A_205 = arith.constant 0 : index
      %get3A_206 = arith.constant 0 : index
      %get3A_207 = vector.load %arg8[%get3A_205, %get3A_206] : memref<2x102400xf32, #tpu.memory_space<vmem>>, vector<2x102400xf32>
      %iota3A_208 = tpu.iota {dimensions = array<i32: 1>} : vector<2x102400xi32>
      %reduce_max3A_209 = arith.constant dense<0xFF800000> : vector<2xf32>
      %reduce_max3A_210 = vector.multi_reduction <maximumf>, %get3A_207, %reduce_max3A_209 [1] : vector<2x102400xf32> to vector<2xf32>
      %broadcast_in_dim3A_211 = vector.shape_cast %reduce_max3A_210 : vector<2xf32> to vector<2x1xf32>
      %eq3A_212 = vector.broadcast %broadcast_in_dim3A_211 : vector<2x1xf32> to vector<2x102400xf32>
      %eq3A_213 = arith.cmpf oeq, %get3A_207, %eq3A_212 : vector<2x102400xf32>
      %jit3A_214 = arith.constant 2147483647 : i32
      %broadcast_in_dim3A_215 = vector.broadcast %jit3A_214 : i32 to vector<2x102400xi32>
      %select_n3A_216 = arith.select %eq3A_213, %iota3A_208, %broadcast_in_dim3A_215 : vector<2x102400xi1>, vector<2x102400xi32>
      %reduce_min3A_217 = arith.constant dense<2147483647> : vector<2xi32>
      %reduce_min3A_218 = vector.multi_reduction <minsi>, %select_n3A_216, %reduce_min3A_217 [1] : vector<2x102400xi32> to vector<2xi32>
      %broadcast_in_dim3A_219 = vector.shape_cast %reduce_min3A_218 : vector<2xi32> to vector<2x1xi32>
      %eq3A_220 = arith.constant 6 : i32
      %eq3A_221 = vector.broadcast %eq3A_220 : i32 to vector<2x128xi32>
      %eq3A_222 = arith.cmpi eq, %iota3A_30, %eq3A_221 : vector<2x128xi32>
      %broadcast_in_dim3A_223 = vector.shape_cast %broadcast_in_dim3A_219 : vector<2x1xi32> to vector<2x1xi32>
      %broadcast_in_dim3A_224 = vector.broadcast %broadcast_in_dim3A_223 : vector<2x1xi32> to vector<2x128xi32>
      %select_n3A_225 = arith.select %eq3A_222, %broadcast_in_dim3A_224, %select_n3A_196 : vector<2x128xi1>, vector<2x128xi32>
      %eq3A_226 = vector.broadcast %broadcast_in_dim3A_219 : vector<2x1xi32> to vector<2x102400xi32>
      %eq3A_227 = arith.cmpi eq, %iota3A_208, %eq3A_226 : vector<2x102400xi32>
      %jit3A_228 = arith.constant -1.000000e+30 : f32
      %broadcast_in_dim3A_229 = vector.broadcast %jit3A_228 : f32 to vector<2x102400xf32>
      %select_n3A_230 = arith.select %eq3A_227, %broadcast_in_dim3A_229, %get3A_207 : vector<2x102400xi1>, vector<2x102400xf32>
      %swap3A_231 = arith.constant 0 : index
      %swap3A_232 = arith.constant 0 : index
      %swap3A_233 = vector.load %arg8[%swap3A_231, %swap3A_232] : memref<2x102400xf32, #tpu.memory_space<vmem>>, vector<2x102400xf32>
      tpu.vector_store %arg8[%swap3A_231, %swap3A_232], %select_n3A_230 {strides = array<i32>} : memref<2x102400xf32, #tpu.memory_space<vmem>>, vector<2x102400xf32>,
      %get3A_234 = arith.constant 0 : index
      %get3A_235 = arith.constant 0 : index
      %get3A_236 = vector.load %arg8[%get3A_234, %get3A_235] : memref<2x102400xf32, #tpu.memory_space<vmem>>, vector<2x102400xf32>
      %iota3A_237 = tpu.iota {dimensions = array<i32: 1>} : vector<2x102400xi32>
      %reduce_max3A_238 = arith.constant dense<0xFF800000> : vector<2xf32>
      %reduce_max3A_239 = vector.multi_reduction <maximumf>, %get3A_236, %reduce_max3A_238 [1] : vector<2x102400xf32> to vector<2xf32>
      %broadcast_in_dim3A_240 = vector.shape_cast %reduce_max3A_239 : vector<2xf32> to vector<2x1xf32>
      %eq3A_241 = vector.broadcast %broadcast_in_dim3A_240 : vector<2x1xf32> to vector<2x102400xf32>
      %eq3A_242 = arith.cmpf oeq, %get3A_236, %eq3A_241 : vector<2x102400xf32>
      %jit3A_243 = arith.constant 2147483647 : i32
      %broadcast_in_dim3A_244 = vector.broadcast %jit3A_243 : i32 to vector<2x102400xi32>
      %select_n3A_245 = arith.select %eq3A_242, %iota3A_237, %broadcast_in_dim3A_244 : vector<2x102400xi1>, vector<2x102400xi32>
      %reduce_min3A_246 = arith.constant dense<2147483647> : vector<2xi32>
      %reduce_min3A_247 = vector.multi_reduction <minsi>, %select_n3A_245, %reduce_min3A_246 [1] : vector<2x102400xi32> to vector<2xi32>
      %broadcast_in_dim3A_248 = vector.shape_cast %reduce_min3A_247 : vector<2xi32> to vector<2x1xi32>
      %eq3A_249 = arith.constant 7 : i32
      %eq3A_250 = vector.broadcast %eq3A_249 : i32 to vector<2x128xi32>
      %eq3A_251 = arith.cmpi eq, %iota3A_30, %eq3A_250 : vector<2x128xi32>
      %broadcast_in_dim3A_252 = vector.shape_cast %broadcast_in_dim3A_248 : vector<2x1xi32> to vector<2x1xi32>
      %broadcast_in_dim3A_253 = vector.broadcast %broadcast_in_dim3A_252 : vector<2x1xi32> to vector<2x128xi32>
      %select_n3A_254 = arith.select %eq3A_251, %broadcast_in_dim3A_253, %select_n3A_225 : vector<2x128xi1>, vector<2x128xi32>
      %eq3A_255 = vector.broadcast %broadcast_in_dim3A_248 : vector<2x1xi32> to vector<2x102400xi32>
      %eq3A_256 = arith.cmpi eq, %iota3A_237, %eq3A_255 : vector<2x102400xi32>
      %jit3A_257 = arith.constant -1.000000e+30 : f32
      %broadcast_in_dim3A_258 = vector.broadcast %jit3A_257 : f32 to vector<2x102400xf32>
      %select_n3A_259 = arith.select %eq3A_256, %broadcast_in_dim3A_258, %get3A_236 : vector<2x102400xi1>, vector<2x102400xf32>
      %swap3A_260 = arith.constant 0 : index
      %swap3A_261 = arith.constant 0 : index
      %swap3A_262 = vector.load %arg8[%swap3A_260, %swap3A_261] : memref<2x102400xf32, #tpu.memory_space<vmem>>, vector<2x102400xf32>
      tpu.vector_store %arg8[%swap3A_260, %swap3A_261], %select_n3A_259 {strides = array<i32>} : memref<2x102400xf32, #tpu.memory_space<vmem>>, vector<2x102400xf32>,
      %slice3A = vector.extract_strided_slice %select_n3A_254 {offsets = [0, 0], sizes = [2, 8], strides = [1, 1]} : vector<2x128xi32> to vector<2x8xi32>
      %swap3A_263 = arith.constant 0 : index
      %swap3A_264 = arith.constant 0 : index
      %swap3A_265 = vector.load %arg5[%swap3A_263, %swap3A_264] : memref<2x8xi32, #tpu.memory_space<vmem>>, vector<2x8xi32>
      tpu.vector_store %arg5[%swap3A_263, %swap3A_264], %slice3A {strides = array<i32>} : memref<2x8xi32, #tpu.memory_space<vmem>>, vector<2x8xi32>,
      %get3A_266 = arith.constant 0 : index
      %get3A_267 = arith.constant 0 : index
      %get3A_268 = vector.load %arg7[%get3A_266, %get3A_267] : memref<2x1024xf32, #tpu.memory_space<vmem>>, vector<2x1024xf32>
      %swap3A_269 = arith.constant 0 : index
      %swap3A_270 = arith.constant 0 : index
      %swap3A_271 = vector.load %arg6[%swap3A_269, %swap3A_270] : memref<2x1024xf32, #tpu.memory_space<vmem>>, vector<2x1024xf32>
      tpu.vector_store %arg6[%swap3A_269, %swap3A_270], %get3A_268 {strides = array<i32>} : memref<2x1024xf32, #tpu.memory_space<vmem>>, vector<2x1024xf32>,
    } else {
    }
    return
  }
  func.func @transform_0(%arg0: i32) -> (i32, i32, i32) {
    %c0_i32 = arith.constant 0 : i32
    %c0_i32_0 = arith.constant 0 : i32
    %c0_i32_1 = arith.constant 0 : i32
    %c0_i32_2 = arith.constant 0 : i32
    return %c0_i32, %c0_i32_0, %c0_i32_1 : i32, i32, i32
  }
  func.func @transform_1(%arg0: i32) -> (i32, i32) {
    %c0_i32 = arith.constant 0 : i32
    %c0_i32_0 = arith.constant 0 : i32
    %c0_i32_1 = arith.constant 0 : i32
    return %c0_i32, %c0_i32_0 : i32, i32
  }
  func.func @transform_2(%arg0: i32) -> i32 {
    %c0_i32 = arith.constant 0 : i32
    %c0_i32_0 = arith.constant 0 : i32
    return %c0_i32 : i32
  }
  func.func @transform_3(%arg0: i32) -> (i32, i32) {
    %c0_i32 = arith.constant 0 : i32
    %c0_i32_0 = arith.constant 0 : i32
    return %arg0, %c0_i32 : i32, i32
  }
  func.func @transform_4(%arg0: i32) -> (i32, i32) {
    %c0_i32 = arith.constant 0 : i32
    %c0_i32_0 = arith.constant 0 : i32
    %c0_i32_1 = arith.constant 0 : i32
    return %c0_i32, %c0_i32_0 : i32, i32
  }
  func.func @transform_5(%arg0: i32) -> (i32, i32) {
    %c0_i32 = arith.constant 0 : i32
    %c0_i32_0 = arith.constant 0 : i32
    %c0_i32_1 = arith.constant 0 : i32
    return %c0_i32, %c0_i32_0 : i32, i32
  }
}

</mosaic_0001>

<sc_bundles>
// kernel: kernel.6.cloned.1.call-start
scs
__scs_entry_jumppad:
0x0: {  	(pc) =	sbr.rel $0x88, $3  }
0x1: {  	(tag) =	ssettag $0x0;
	lr =	simm.s32 $0x1  }
0x2: {  	[smem:$0x3F9B] =	sst lr;
	_ =	strace $0xD0000000  }
0x3: {  	_ = 	snop  }
0x4: {  	_ = 	snop  }
0x5: {  	_ = 	snop  }
0x6: {  	_ = 	snop  }
0x7: {  	_ = 	snop  }
__scs_overlays_trampoline_lowered:
0x8: {  	[smem:$0x3FAA] =	sst s0  }
0x9: {  	[smem:$0x3FAB] =	sst s1  }
0xa: {  	[smem:$0x3FAC] =	sst s2  }
0xb: {  	[smem:$0x3FAD] =	sst s3  }
0xc: {  	[smem:$0x3FAE] =	sst s4  }
0xd: {  	[smem:$0x3FAF] =	sst s5  }
0xe: {  	[smem:$0x3FB0] =	sst s6  }
0xf: {  	[smem:$0x3FB1] =	sst s7  }
0x10: {  	[smem:$0x3FB2] =	sst s8  }
0x11: {  	[smem:$0x3FB3] =	sst s9;
	s0 =	simm.s32 @!p0 $0x0  }
0x12: {  	s1 =	sld [smem:$0x3F99];
	s0 =	simm.s32 @p0 $0x1  }
0x13: {  	[smem:$0x3FB4] =	sst s0;
	s0 =	simm.s32 @!p1 $0x0  }
0x14: {  	s2 =	sld [smem:$0x3F98];
	s0 =	simm.s32 @p1 $0x1  }
0x15: {  	[smem:$0x3FB5] =	sst s0;
	s0 =	simm.s32 @!p2 $0x0  }
0x16: {  	s3 =	sld [smem:$0x3FDB];
	s0 =	simm.s32 @p2 $0x1  }
0x17: {  	s4 =	simm.s32 $0x1BF5;
	[smem:$0x3FB7] =	sst s0  }
0x18: {  	s0 =	sld [smem:$0x3F9A];
	_ =	swait.ge [sflag:s4], $0x0  }
0x19: {  	s7 =	sld [smem:$0x3F9B]  }
0x1a: {  	s8 =	sadd.s32 $0xFFFFE003, lr  }
0x1b: {  	s9 =	sadd.s32 $0xFFFFFEF7, lr;
	s5 =	simm.s32 $0xFFFFFFFF;
	p2 =	slt.u32 s8, $0xFFFFF086  }
0x1c: {  	p1 =	slt.u32 s9, $0xF7A;
	s5 =	simm.s32 @!p2 $0x0  }
0x1d: {  	s5 =	simm.s32 @p1 $0x1;
	p0 =	seq.s32 s7, s2  }
0x1e: {  	s7 =	smul.u32 @!p0 $0xF7A, s2;
	p2 =	seq.s32 @!p0 s5, $0x0  }
0x1f: {  	s9 =	smul.u32 $0xF7A, s1;
	s8 =	simm.s32 @!p0 $0x1BF5;
	p2 =	por !p2, p0  }
0x20: {  	[sflag:s8] =	ssyncset.s32 @!p0 $0xFFFFF086;
	s6 =	sadd.s32 @!p0 s3, s7;
	s7 =	simm.s32 @!p0 $0x108  }
0x21: {  	s3 =	sadd.s32 s3, s9;
	s6 =	sadd.s32 @!p0 $0x88, s6;
	s7 =	simm.s32 @p2 $0x1082  }
0x22: {  	[simem:s7], [sflag:s8] =	dma.local @!p0 [hbm:s6], $0xF7A  }
0x23: {  	s9 =	sor.u32 $0xD0000000, s2;
	s6 =	simm.s32 $0x108;
	_ =	swait.ge @!p0 [sflag:s8], $0x0  }
0x24: {  	s3 =	sadd.s32 $0x88, s3;
	s6 =	simm.s32 @!p1 $0x1082;
	[sflag:s4] =	ssyncset.s32 $0xFFFFF086  }
0x25: {  	[simem:s6], [sflag:s4] =	dma.local [hbm:s3], $0xF7A  }
0x26: {  	[smem:$0x3F9B] =	sst s1;
	(tag) =	ssettag s2;
	_ =	strace s9  }
0x27: {  	s1 =	sld [smem:$0x3FAB]  }
0x28: {  	s2 =	sld [smem:$0x3FAC]  }
0x29: {  	s4 =	sld [smem:$0x3FAE]  }
0x2a: {  	p0 =	seq.s32 s5, $0x0;
	s5 =	sld [smem:$0x3FAF]  }
0x2b: {  	s6 =	sld [smem:$0x3FB0]  }
0x2c: {  	s7 =	sld [smem:$0x3FB1]  }
0x2d: {  	s3 =	simm.s32 $0x108;
	s8 =	sld [smem:$0x3FB2]  }
0x2e: {  	s3 =	simm.s32 @!p0 $0x1082;
	s9 =	sld [smem:$0x3FB3]  }
0x2f: {  	lr =	sadd.s32 s0, s3;
	s0 =	sld [smem:$0x3FAA]  }
0x30: {  	s3 =	sld [smem:$0x3FAD]  }
0x31: {  	[smem:$0x3FB6] =	sst s10  }
0x32: {  	s10 =	sld [smem:$0x3FB4];
	_ =	sdelay $0x3  }
0x33: {  	p0 =	seq.s32 s10, $0x1;
	s10 =	sld [smem:$0x3FB6];
	_ =	sdelay $0x3  }
0x34: {  	[smem:$0x3FB6] =	sst s10  }
0x35: {  	s10 =	sld [smem:$0x3FB5];
	_ =	sdelay $0x3  }
0x36: {  	p1 =	seq.s32 s10, $0x1;
	s10 =	sld [smem:$0x3FB6];
	_ =	sdelay $0x3  }
0x37: {  	[smem:$0x3FB6] =	sst s10  }
0x38: {  	s10 =	sld [smem:$0x3FB7]  }
0x39: {  	_ = 	snop;
	(pc) =	sbr.ind lr, $3  }
0x3a: {  	_ = 	snop  }
0x3b: {  	_ = 	snop  }
0x3c: {  	p2 =	seq.s32 s10, $0x1;
	s10 =	sld [smem:$0x3FB6]  }
0x3d: {  	_ =	shalt  }
0x3e: {  	_ =	shalt  }
0x3f: {  	_ =	shalt  }
0x40: {  	_ =	shalt  }
0x41: {  	_ =	shalt  }
0x42: {  	_ =	shalt  }
0x43: {  	_ =	shalt  }
0x44: {  	_ =	shalt  }
0x45: {  	_ =	shalt  }
0x46: {  	_ =	shalt  }
0x47: {  	_ =	shalt  }
0x48: {  	_ =	shalt  }
0x49: {  	_ =	shalt  }
0x4a: {  	_ =	shalt  }
0x4b: {  	_ =	shalt  }
0x4c: {  	_ =	shalt  }
0x4d: {  	_ =	shalt  }
0x4e: {  	_ =	shalt  }
0x4f: {  	_ =	shalt  }
0x50: {  	_ =	shalt  }
0x51: {  	_ =	shalt  }
0x52: {  	_ =	shalt  }
0x53: {  	_ =	shalt  }
0x54: {  	_ =	shalt  }
0x55: {  	_ =	shalt  }
0x56: {  	_ =	shalt  }
0x57: {  	_ =	shalt  }
0x58: {  	_ =	shalt  }
0x59: {  	_ =	shalt  }
0x5a: {  	_ =	shalt  }
0x5b: {  	_ =	shalt  }
0x5c: {  	_ =	shalt  }
0x5d: {  	_ =	shalt  }
0x5e: {  	_ =	shalt  }
0x5f: {  	_ =	shalt  }
0x60: {  	_ =	shalt  }
0x61: {  	_ =	shalt  }
0x62: {  	_ =	shalt  }
0x63: {  	_ =	shalt  }
0x64: {  	_ =	shalt  }
0x65: {  	_ =	shalt  }
0x66: {  	_ =	shalt  }
0x67: {  	_ =	shalt  }
0x68: {  	_ =	shalt  }
0x69: {  	_ =	shalt  }
0x6a: {  	_ =	shalt  }
0x6b: {  	_ =	shalt  }
0x6c: {  	_ =	shalt  }
0x6d: {  	_ =	shalt  }
0x6e: {  	_ =	shalt  }
0x6f: {  	_ =	shalt  }
0x70: {  	_ =	shalt  }
0x71: {  	_ =	shalt  }
0x72: {  	_ =	shalt  }
0x73: {  	_ =	shalt  }
0x74: {  	_ =	shalt  }
0x75: {  	_ =	shalt  }
0x76: {  	_ =	shalt  }
0x77: {  	_ =	shalt  }
0x78: {  	_ =	shalt  }
0x79: {  	_ =	shalt  }
0x7a: {  	_ =	shalt  }
0x7b: {  	_ =	shalt  }
0x7c: {  	_ =	shalt  }
0x7d: {  	_ =	shalt  }
0x7e: {  	_ =	shalt  }
0x7f: {  	_ =	shalt  }
0x80: {  	_ =	shalt  }
0x81: {  	_ =	shalt  }
0x82: {  	_ =	shalt  }
0x83: {  	_ =	shalt  }
0x84: {  	_ =	shalt  }
0x85: {  	_ =	shalt  }
0x86: {  	_ =	shalt  }
0x87: {  	_ =	shalt  }
.Lfunc_end0:
.L_simem_size_0:
called_computation_lowered:
.L_overlay_start_0:
0x88: {  	s2 =	sld [smem:$0x3FD9]  }
0x89: {  	s3 =	sld [smem:$0x3FFE];
	_ =	sdelay $0x1  }
0x8a: {  	s1 =	srdreg.scid  }
0x8b: {  	s0 =	sand.u32 $0x1, s1  }
0x8c: {  	s15 =	sshll.u32 s0, $0xA;
	s2 =	sadd.s32 s3, s2  }
0x8d: {  	s2 =	sadd.s32 s2, s15  }
0x8e: {  	[smem:$0x3FC2] =	sst s2  }
0x8f: {  	_ = 	snop  }
0x90: {  	s2 =	sld [smem:$0x3FD0];
	_ =	sdelay $0x2  }
0x91: {  	s4 =	simm.s32 $0xA;
	s5 =	simm.s32 $0x10;
	s16 =	sld [smem:$0x3FC8]  }
0x92: {  	[smem:s5], [sflag:s4] =	dma.local [hbm:s2], $0x1  }
0x93: {  	_ =	swait.eq [sflag:s4], $0x1  }
0x94: {  	[sflag:s4] =	ssyncset.done $0x0  }
0x95: {  	s17 =	sld [smem:$0x10];
	[sflag:s4] =	ssyncadd.s32 $0xFFFFFFFF  }
0x96: {  	s18 =	sld [smem:$0x12];
	(tm) =	ssettm $0x1  }
0x97: {  	s19 =	sld [smem:$0x3FFB];
	_ =	sdelay $0x3  }
0x98: {  	_ =	strace s19  }
0x99: {  	s5 =	sld [smem:$0x3FFC];
	_ =	sdelay $0x3  }
0x9a: {  	_ =	strace s5  }
0x9b: {  	s5 =	sld [smem:$0x3FFD];
	_ =	sdelay $0x3  }
0x9c: {  	_ =	strace s5  }
0x9d: {  	_ =	strace $0x8FFFFFFF  }
0x9e: {  	s20 =	sld [smem:$0x3FDB];
	_ =	sdelay $0x1  }
0x9f: {  	s6 =	simm.s32 $_scs_section_size  }
0xa0: {  	s7 =	simm.s32 $_size__tile_overlayer_lowered;
	s8 =	simm.s32 $_tile_overlayer_lowered  }
0xa1: {  	s23 =	simm.s32 $0x1BFF;
	s22 =	sshll.u32 s8, $0x1;
	s5 =	sadd.s32 s6, s20  }
0xa2: {  	s9 =	simm.s32 $0x0;
	s21 =	sshll.u32 s7, $0x1;
	s7 =	sadd.s32 s22, s5  }
0xa3: {  	[timem:s9], [sflag:s23] =	dma.local [hbm:s7], s21  }
0xa4: {  	_ =	swait.ge [sflag:s23], s21  }
0xa5: {  	s6 =	ssub.s32 $0x0, s21;
	[sflag:s23] =	ssyncset.done $0x0  }
0xa6: {  	[sflag:s23] =	ssyncadd.s32 s6;
	_ =	sdelay $0x1  }
0xa7: {  	s24 =	simm.s32 $0x1B8B  }
0xa8: {  	_ =	swait.ge [sflag:s24], $0x1  }
0xa9: {  	[sflag:s24] =	ssyncset.done $0x0  }
0xaa: {  	s25 =	simm.s32 $0x1B8E;
	[sflag:s24] =	ssyncadd.s32 $0xFFFFFFFF  }
0xab: {  	s26 =	simm.s32 $execute0_lowered;
	[smem:$0x3FD2] =	sst s25  }
0xac: {  	s6 =	sshll.u32 s26, $0x1;
	_ =	strace $0x80000046;
	[dreg:$0x1] =	wrdreg $0xFFFFFFFF  }
0xad: {  	s28 =	simm.s32 $_size_execute0_lowered;
	s5 =	sadd.s32 s5, s6;
	[dreg:$0x0] =	wrdreg $0x0  }
0xae: {  	s6 =	sshll.u32 s28, $0x1;
	[dreg:$0x2] =	wrdreg s5  }
0xaf: {  	[dreg:$0x3] =	wrdreg s6  }
0xb0: {  	[dreg:$0x4] =	wrdreg $0xC0  }
0xb1: {  	_ =	task [dreg:s9], $0x5FFFF  }
0xb2: {  	[dreg:$0x1] =	wrdreg $0xFFFFFFFF  }
0xb3: {  	[dreg:$0x0] =	wrdreg $0x60  }
0xb4: {  	[dreg:$0x2] =	wrdreg s17  }
0xb5: {  	[dreg:$0x3] =	wrdreg s16  }
0xb6: {  	[dreg:$0x4] =	wrdreg s18  }
0xb7: {  	[dreg:$0x5] =	wrdreg $0x9  }
0xb8: {  	_ =	task.clear_ibuf [dreg:s9], $0x6FFFF;
	_ =	strace $0x90000046  }
0xb9: {  	s29 =	simm.s32 $0x9;
	_ =	strace $0x80000048  }
0xba: {  	_ =	swait.ge [sflag:s29], $0x1  }
0xbb: {  	[sflag:s29] =	ssyncadd.s32 $0xFFFFFFFF  }
0xbc: {  	_ =	strace $0x90000048  }
0xbd: {  	_ =	sfence  }
0xbe: {  	s30 =	sld [smem:$0x0];
	_ =	sdelay $0x2  }
0xbf: {  	s31 =	sshll.u32 s1, $0xD;
	s1 =	sshrl.u32 s1, $0x2  }
0xc0: {  	s3 =	sand.u32 $0x4000, s31;
	s1 =	sadd.s32 s1, s30  }
0xc1: {  	s0 =	sor.u32 s3, s0;
	s1 =	sshll.u32 s1, $0x11  }
0xc2: {  	s0 =	sor.u32 s1, s0  }
0xc3: {  	s0 =	sadd.s32 $0x8F2B, s0  }
0xc4: {  	[sflag:s0] =	ssyncadd.remote.s32 $0x1  }
0xc5: {  	_ =	sfence.sel $0xFFFF  }
0xc6: {  	[dreg:$0x0] =	wrdreg $0xFFFFFFFF;
	(pc) =	sbr.abs _section_cstart, $3  }
0xc7: {  	[dreg:$0x1] =	wrdreg $0xFFFFFFFF  }
0xc8: {  	_ =	task.clear_ibuf [dreg:s9], $0x2FFFF;
	_ =	strace $0x9FFFFFFF  }
0xc9: {  	(tm) =	ssettm $0x7FFFFFFF  }
tec
execute0_lowered:
.L_overlay_start_1:
0x0: {  	(tag) =	ssettag $0x1  }
0x1: {  	s0 =	srdreg.scid  }
0x2: {  	s19 =	sand.u32 $0x1, s0;
	s0 =	stileid.u32  }
0x3: {  	s5 =	sor.u32 s0, s19  }
0x4: {  	p0 =	sne.s32 s5, $0x0  }
.Ltmp0:
0x5: {  	_ = 	snop;
	(pc) =	sbr.rel @p0 .LBB2_4-.Ltmp0, $4  }
0x6: {  	s2 =	rddreg [dreg:$0x0]  }
0x7: {  	s3 =	rddreg [dreg:$0x1]  }
0x8: {  	s4 =	rddreg [dreg:$0x2]  }
0x9: {  	s1 =	rddreg [dreg:$0x3];
	_ =	strace $0x80000047  }
0xa: {  	s6 =	simm.s32 $0x0;
	s5 =	simm.s32 $0x2  }
0xb: {  	[tilespmem:s6], [sflag:$0x2] =	stream.linear.gather [hbm4b:s2+s6], $0x80, $0x38;
	[tilespmem:$0x4080] =	vst v63  }
0xc: {  	_ =	swait.ge [sflag:s5], $0x80  }
0xd: {  	[sflag:s5] =	ssyncset.done $0x0  }
0xe: {  	[sflag:s5] =	ssyncadd.s32 $0xFFFFFF80  }
0xf: {  	v0 =	vld [tilespmem:$0x0];
	_ =	sdelay $0x4  }
0x10: {  	v1 =	vshll.u32 v0, $0x3  }
0x11: {  	v2 =	vlaneseq.u32;
	v3 =	vand.u32 $0x7, v0;
	v1 =	vand.u32 $0xFFFFFFC0, v1  }
0x12: {  	v4 =	vshrl.u32 v2, $0x3;
	v0 =	vand.u32 $0x7, v2;
	v3 =	vor.u32 v3, v1  }
0x13: {  	v1 =	vmul.u32 $0x8, v4;
	v63 =	vperm.xlane v3, v0;
	_ =	sdelay $0x1  }
0x14: {  	v4 =	vadd.s32 v1, v63;
	_ =	sdelay $0x3  }
0x15: {  	vm0 =	vmmov $0xffff;
	s7 =	simm.s32 $0x80  }
0x16: {  	v2 =	vor.u32 $0x8, v2;
	[tilespmem:s7], [sflag:$0x1] =	stream.indirect_vreg.gather [hbm4b:s3+s6], $0x80, v4, vm0, $0xb8;
	[tilespmem:$0x4080] =	vst v63  }
0x17: {  	s8 =	sadd.s32 $0x100, s3;
	s9 =	simm.s32 $0x880;
	v3 =	vperm.xlane v3, v2  }
0x18: {  	[tilespmem:s9], [sflag:$0x1] =	stream.indirect_vreg.gather [hbm4b:s8+s6], $0x80, v4, vm0, $0xb8;
	[tilespmem:$0x4080] =	vst v63  }
0x19: {  	s10 =	sadd.s32 $0x200, s3;
	s11 =	simm.s32 $0x1080;
	v3 =	vadd.s32 v1, v3  }
0x1a: {  	[tilespmem:s11], [sflag:$0x1] =	stream.indirect_vreg.gather [hbm4b:s10+s6], $0x80, v4, vm0, $0xb8;
	[tilespmem:$0x4080] =	vst v63  }
0x1b: {  	s12 =	sadd.s32 $0x300, s3;
	s13 =	simm.s32 $0x1880  }
0x1c: {  	[tilespmem:s13], [sflag:$0x1] =	stream.indirect_vreg.gather [hbm4b:s12+s6], $0x80, v4, vm0, $0xb8;
	[tilespmem:$0x4080] =	vst v63  }
0x1d: {  	s14 =	simm.s32 $0x2080  }
0x1e: {  	[tilespmem:s14], [sflag:$0x1] =	stream.indirect_vreg.gather [hbm4b:s3+s6], $0x80, v3, vm0, $0xb8;
	[tilespmem:$0x4080] =	vst v63  }
0x1f: {  	s15 =	simm.s32 $0x2880;
	s19 =	ssub.s32 $0x2, s19  }
0x20: {  	[tilespmem:s15], [sflag:$0x1] =	stream.indirect_vreg.gather [hbm4b:s8+s6], $0x80, v3, vm0, $0xb8;
	[tilespmem:$0x4080] =	vst v63  }
0x21: {  	s16 =	simm.s32 $0x3080;
	s20 =	sshrl.u32 s19, $0x1  }
0x22: {  	[tilespmem:s16], [sflag:$0x1] =	stream.indirect_vreg.gather [hbm4b:s10+s6], $0x80, v3, vm0, $0xb8;
	[tilespmem:$0x4080] =	vst v63  }
0x23: {  	s17 =	simm.s32 $0x3880;
	s18 =	simm.s32 $0x1;
	s19 =	ssub.s32 s19, s20  }
0x24: {  	[tilespmem:s17], [sflag:$0x1] =	stream.indirect_vreg.gather [hbm4b:s12+s6], $0x80, v3, vm0, $0xb8;
	[tilespmem:$0x4080] =	vst v63  }
0x25: {  	p0 =	sne.s32 s19, $0x1;
	_ =	swait.ge [sflag:s18], $0x4000  }
.Ltmp1:
0x26: {  	[sflag:s18] =	ssyncset.done $0x0;
	(pc) =	sbr.rel @!p0 .LBB2_3-.Ltmp1, $4  }
0x27: {  	[sflag:s18] =	ssyncadd.s32 $0xFFFFC000  }
0x28: {  	[hbm4b:s4+s6] =	stream.linear.scatter [tilespmem:s7], [sflag:$0x2], $0x4000, $0x38;
	[tilespmem:$0x4080] =	vst v63  }
0x29: {  	_ =	swait.ge [sflag:s5], $0x4000  }
0x2a: {  	s19 =	sadd.s32 $0xFFFFFFFF, s19;
	[sflag:s5] =	ssyncset.done $0x0  }
.LBB2_2:
0x2b: {  	p0 =	sne.s32 s19, $0x1;
	s19 =	sadd.s32 $0xFFFFFFFF, s19;
	[sflag:s5] =	ssyncadd.s32 $0xFFFFC000  }
0x2c: {  	[tilespmem:s6], [sflag:$0x2] =	stream.linear.gather [hbm4b:s2+s6], $0x80, $0x38;
	[tilespmem:$0x4080] =	vst v63  }
0x2d: {  	_ =	swait.ge [sflag:s5], $0x80  }
0x2e: {  	[sflag:s5] =	ssyncset.done $0x0  }
0x2f: {  	[sflag:s5] =	ssyncadd.s32 $0xFFFFFF80  }
0x30: {  	v3 =	vld [tilespmem:$0x0];
	_ =	sdelay $0x4  }
0x31: {  	v4 =	vshll.u32 v3, $0x3  }
0x32: {  	v3 =	vand.u32 $0x7, v3;
	v4 =	vand.u32 $0xFFFFFFC0, v4  }
0x33: {  	v3 =	vor.u32 v3, v4  }
0x34: {  	v4 =	vperm.xlane v3, v0;
	v3 =	vperm.xlane v3, v2;
	_ =	sdelay $0x1  }
0x35: {  	v4 =	vadd.s32 v1, v4;
	_ =	sdelay $0x4  }
0x36: {  	[tilespmem:s7], [sflag:$0x1] =	stream.indirect_vreg.gather [hbm4b:s3+s6], $0x80, v4, vm0, $0xb8;
	[tilespmem:$0x4080] =	vst v63  }
0x37: {  	_ = 	snop  }
0x38: {  	[tilespmem:s9], [sflag:$0x1] =	stream.indirect_vreg.gather [hbm4b:s8+s6], $0x80, v4, vm0, $0xb8;
	[tilespmem:$0x4080] =	vst v63  }
0x39: {  	v3 =	vadd.s32 v1, v3  }
0x3a: {  	[tilespmem:s11], [sflag:$0x1] =	stream.indirect_vreg.gather [hbm4b:s10+s6], $0x80, v4, vm0, $0xb8;
	[tilespmem:$0x4080] =	vst v63  }
0x3b: {  	_ = 	snop  }
0x3c: {  	[tilespmem:s13], [sflag:$0x1] =	stream.indirect_vreg.gather [hbm4b:s12+s6], $0x80, v4, vm0, $0xb8;
	[tilespmem:$0x4080] =	vst v63  }
0x3d: {  	_ = 	snop  }
0x3e: {  	[tilespmem:s14], [sflag:$0x1] =	stream.indirect_vreg.gather [hbm4b:s3+s6], $0x80, v3, vm0, $0xb8;
	[tilespmem:$0x4080] =	vst v63  }
0x3f: {  	_ = 	snop  }
0x40: {  	[tilespmem:s15], [sflag:$0x1] =	stream.indirect_vreg.gather [hbm4b:s8+s6], $0x80, v3, vm0, $0xb8;
	[tilespmem:$0x4080] =	vst v63  }
0x41: {  	_ = 	snop  }
0x42: {  	[tilespmem:s16], [sflag:$0x1] =	stream.indirect_vreg.gather [hbm4b:s10+s6], $0x80, v3, vm0, $0xb8;
	[tilespmem:$0x4080] =	vst v63  }
0x43: {  	_ = 	snop  }
0x44: {  	[tilespmem:s17], [sflag:$0x1] =	stream.indirect_vreg.gather [hbm4b:s12+s6], $0x80, v3, vm0, $0xb8;
	[tilespmem:$0x4080] =	vst v63  }
0x45: {  	_ =	swait.ge [sflag:s18], $0x4000  }
.Ltmp2:
0x46: {  	[sflag:s18] =	ssyncset.done $0x0;
	(pc) =	sbr.rel @p0 .LBB2_2-.Ltmp2, $4  }
0x47: {  	[sflag:s18] =	ssyncadd.s32 $0xFFFFC000  }
0x48: {  	[hbm4b:s4+s6] =	stream.linear.scatter [tilespmem:s7], [sflag:$0x2], $0x4000, $0x38;
	[tilespmem:$0x4080] =	vst v63  }
0x49: {  	_ =	swait.ge [sflag:s5], $0x4000  }
0x4a: {  	[sflag:s5] =	ssyncset.done $0x0  }
.LBB2_3:
0x4b: {  	[sflag:s5] =	ssyncadd.s32 $0xFFFFC000  }
.LBB2_4:
0x4c: {  	_ =	sfence.sel $0x180000  }
0x4d: {  	[bflag:$0x0] =	sbarrier.arrive $0xFFFF  }
0x4e: {  	p0 =	sne.s32 s0, $0x0;
	_ =	strace $0x90000047  }
0x4f: {  	s0 =	sadd.s32 @!p0 $0x100000, s1;
	[bflag:$0x2] =	sbarrier.arrive $0xFFFF  }
0x50: {  	[sflag:s0] =	ssyncadd.tile.s32 @!p0 $0x1;
	_ =	shalt  }
.Lfunc_end2:
_tile_overlayer_lowered:
.L_overlay_start_2:
0x51: {  	(tag) =	ssettag $0x2  }
0x52: {  	s0 =	rddreg [dreg:$0x0];
	s2 =	stileid.u32  }
0x53: {  	s1 =	rddreg [dreg:$0x1];
	p0 =	sne.s32 s2, $0x0  }
0x54: {  	s3 =	rddreg [dreg:$0x2];
	[bflag:$0x3] =	sbarrier.arrive $0xFFFF;
	s2 =	simm.s32 @!p0 $0x1C02  }
0x55: {  	[timem:s3], [sflag:s2] =	dma.local @!p0 [hbm:s0], s1  }
0x56: {  	s0 =	simm.s32 @!p0 $0x2  }
0x57: {  	_ =	swait.ge @!p0 [sflag:s0], s1  }
0x58: {  	s1 =	ssub.s32 @!p0 $0x0, s1;
	[sflag:s0] =	ssyncset.done @!p0 $0x0  }
0x59: {  	[sflag:s0] =	ssyncadd.s32 @!p0 s1  }
0x5a: {  	[bflag:$0x3] =	sbarrier.arrive $0xFFFF  }
0x5b: {  	_ =	shalt  }

</sc_bundles>
